<compile_context>
chip_gen: v7x
topology: tpu7x:2x2x1
jax: 0.10.2.dev20260603
libtpu: 0.0.44.dev20260713+nightly
codegen_flags: <defaults>
</compile_context>

<pallas_src>
import functools

import jax
import jax.numpy as jnp
from jax import lax
from jax.experimental import pallas as pl
from jax.experimental.pallas import tpu as pltpu
from jax.experimental.pallas import tpu_sc as plsc

_K = 128
_SIGMA = 0.5
_EPS = 1e-5


def _fps_kernel(pts_ref, tgt_ref, idx_ref, cp_ref, nn_ref):
    P = pts_ref[...]
    Bv = P.shape[0] // 3
    S, L = P.shape[1], P.shape[2]
    Nv = S * L
    n_id = (jax.lax.broadcasted_iota(jnp.int32, (Bv, S, L), 1) * L
            + jax.lax.broadcasted_iota(jnp.int32, (Bv, S, L), 2))
    kidx = jax.lax.broadcasted_iota(jnp.int32, (Bv, _K), 1)
    boff = jax.lax.broadcasted_iota(jnp.int32, (Bv, 1), 0) * Nv

    def step(k, carry):
        dist, far, idxs, cxa, cya, cza = carry
        oh = n_id == far
        ohb = jnp.concatenate([oh, oh, oh], axis=0)
        c = jnp.sum(jnp.where(ohb, P, 0.0), axis=(1, 2),
                    keepdims=True)
        sel = kidx == k
        idxs = jnp.where(sel, far.reshape(Bv, 1) + boff, idxs)
        cxa = jnp.where(sel, c[0 * Bv:1 * Bv].reshape(Bv, 1), cxa)
        cya = jnp.where(sel, c[1 * Bv:2 * Bv].reshape(Bv, 1), cya)
        cza = jnp.where(sel, c[2 * Bv:3 * Bv].reshape(Bv, 1), cza)
        D = P - c
        sq = D * D
        d = (sq[0 * Bv:1 * Bv] + sq[1 * Bv:2 * Bv]) + sq[2 * Bv:3 * Bv]
        dist = jnp.minimum(dist, d)
        m = jnp.max(dist, axis=(1, 2), keepdims=True)
        far = jnp.min(jnp.where(dist == m, n_id, Nv), axis=(1, 2),
                      keepdims=True).astype(jnp.int32)
        return dist, far, idxs, cxa, cya, cza

    dist0 = jnp.full((Bv, S, L), jnp.inf, jnp.float32)
    far0 = jnp.zeros((Bv, 1, 1), jnp.int32)
    z = jnp.zeros((Bv, _K), jnp.float32)
    carry = (dist0, far0, jnp.zeros((Bv, _K), jnp.int32), z, z, z)
    _, _, idxs, cxa, cya, cza = jax.lax.fori_loop(0, _K, step, carry,
                                                  unroll=4)
    idx_ref[...] = idxs
    cp_ref[0] = cxa
    cp_ref[1] = cya
    cp_ref[2] = cza

    Mv = tgt_ref.shape[2]
    lane = jax.lax.broadcasted_iota(jnp.int32, (_K, Mv), 1)
    for b in range(Bv):
        cx = cxa[b].reshape(_K, 1)
        cy = cya[b].reshape(_K, 1)
        cz = cza[b].reshape(_K, 1)
        tx = tgt_ref[0, b].reshape(1, Mv)
        ty = tgt_ref[1, b].reshape(1, Mv)
        tz = tgt_ref[2, b].reshape(1, Mv)
        dx = cx - tx
        d2 = dx * dx
        dy = cy - ty
        d2 = d2 + dy * dy
        dz = cz - tz
        d2 = d2 + dz * dz
        dk = jnp.sqrt(jnp.maximum(d2, 0.0))
        mk = jnp.min(dk, axis=1, keepdims=True)
        nn = jnp.min(jnp.where(dk == mk, lane, Mv), axis=1, keepdims=True)
        nn_ref[b, :] = (nn + b * Mv).reshape(_K).astype(jnp.int32)


def _fps_knn(src_t, tgt_t):
    B = src_t.shape[1]
    N = src_t.shape[2]
    S = 8
    pts = src_t.reshape(3 * B, S, N // S)
    return pl.pallas_call(
        _fps_kernel,
        out_shape=(
            jax.ShapeDtypeStruct((B, _K), jnp.int32),
            jax.ShapeDtypeStruct((3, B, _K), jnp.float32),
            jax.ShapeDtypeStruct((B, _K), jnp.int32),
        ),
    )(pts, tgt_t)


def _sc_gather2(tab1, idx1, tab2, idx2):
    R = idx1.shape[0]
    F = tab1.shape[1]
    info = plsc.get_sparse_core_info()
    nw = info.num_cores * info.num_subcores
    bpw = R // nw
    mesh = plsc.VectorSubcoreMesh(core_axis_name="c", subcore_axis_name="s")

    @functools.partial(
        pl.kernel,
        mesh=mesh,
        out_type=(
            jax.ShapeDtypeStruct((R, F), jnp.float32),
            jax.ShapeDtypeStruct((R, F), jnp.float32),
        ),
        scratch_types=[
            pltpu.VMEM((bpw,), jnp.int32),
            pltpu.VMEM((bpw, F), jnp.float32),
            pltpu.VMEM((bpw,), jnp.int32),
            pltpu.VMEM((bpw, F), jnp.float32),
            pltpu.SemaphoreType.DMA,
            pltpu.SemaphoreType.DMA,
        ],
    )
    def gather_k(t1, i1, t2, i2, o1, o2, iv1, rv1, iv2, rv2, s1, s2):
        wid = lax.axis_index("s") * info.num_cores + lax.axis_index("c")
        base = wid * bpw
        ci1 = pltpu.async_copy(i1.at[pl.ds(base, bpw)], iv1, s1)
        ci2 = pltpu.async_copy(i2.at[pl.ds(base, bpw)], iv2, s2)
        ci1.wait()
        c1 = pltpu.async_copy(t1.at[iv1], rv1, s1)
        ci2.wait()
        c2 = pltpu.async_copy(t2.at[iv2], rv2, s2)
        c1.wait()
        pltpu.sync_copy(rv1, o1.at[pl.ds(base, bpw)])
        c2.wait()
        pltpu.sync_copy(rv2, o2.at[pl.ds(base, bpw)])

    return gather_k(tab1, idx1, tab2, idx2)


def _bn(x, g, b):
    mu = jnp.mean(x, axis=0, keepdims=True)
    var = jnp.mean((x - mu) ** 2, axis=0, keepdims=True)
    return (x - mu) / jnp.sqrt(var + _EPS) * g[None, :] + b[None, :]


def _mlp_rbf_kernel(xc_ref, xt_ref, w1_ref, b1_ref, g1_ref, be1_ref,
                    w2_ref, b2_ref, g2_ref, be2_ref, w3_ref, b3_ref,
                    src_ref, cp_ref, out_ref, delta_ref, w_ref, wsc):
    b = pl.program_id(0)

    @pl.when(b == 0)
    def _():
        F = xc_ref.shape[1]
        xc = xc_ref[...]
        xt = xt_ref[...]
        w1 = w1_ref[...]
        dn = (((1,), (1,)), ((), ()))
        h = jax.lax.dot_general(xc, w1[:, :F], dn,
                                preferred_element_type=jnp.float32)
        h = h + jax.lax.dot_general(xt, w1[:, F:], dn,
                                    preferred_element_type=jnp.float32)
        h = h + b1_ref[...][None, :]
        h = jnp.maximum(_bn(h, g1_ref[...], be1_ref[...]), 0.0)
        h = jax.lax.dot_general(h, w2_ref[...], dn,
                                preferred_element_type=jnp.float32)
        h = h + b2_ref[...][None, :]
        h = jnp.maximum(_bn(h, g2_ref[...], be2_ref[...]), 0.0)
        w = jax.lax.dot_general(h, w3_ref[...], dn,
                                preferred_element_type=jnp.float32)
        wsc[...] = w + b3_ref[...][None, :]

    s = src_ref[0]
    sx = s[:, 0:1]
    sy = s[:, 1:2]
    sz = s[:, 2:3]
    cx = cp_ref[0:1, pl.ds(b * _K, _K)]
    cy = cp_ref[1:2, pl.ds(b * _K, _K)]
    cz = cp_ref[2:3, pl.ds(b * _K, _K)]
    dx = sx - cx
    sq = dx * dx
    dy = sy - cy
    sq = sq + dy * dy
    dz = sz - cz
    sq = sq + dz * dz
    logits = -sq / (2.0 * _SIGMA * _SIGMA)
    m = jnp.max(logits, axis=1, keepdims=True)
    e = jnp.exp(logits - m)
    wts = e / jnp.sum(e, axis=1, keepdims=True)
    wb = wsc[pl.ds(b * _K, _K), :]
    w_ref[0] = wb
    delta3 = jax.lax.dot_general(wts, wb, (((1,), (0,)), ((), ())),
                                 preferred_element_type=jnp.float32)
    delta_ref[0] = delta3
    out_ref[0] = s + delta3


def _mlp_rbf(xc, xt, W1, b1, g1, be1, W2, b2, g2, be2, W3, b3, src, cp2):
    B, N, _ = src.shape
    R = xc.shape[0]
    F = xc.shape[1]
    H = W1.shape[0]
    P = W3.shape[0]
    cmap2 = lambda b: (0, 0)
    cmap1 = lambda b: (0,)
    return pl.pallas_call(
        _mlp_rbf_kernel,
        grid=(B,),
        in_specs=[
            pl.BlockSpec((R, F), cmap2),
            pl.BlockSpec((R, F), cmap2),
            pl.BlockSpec((H, 2 * F), cmap2),
            pl.BlockSpec((H,), cmap1),
            pl.BlockSpec((H,), cmap1),
            pl.BlockSpec((H,), cmap1),
            pl.BlockSpec((H, H), cmap2),
            pl.BlockSpec((H,), cmap1),
            pl.BlockSpec((H,), cmap1),
            pl.BlockSpec((H,), cmap1),
            pl.BlockSpec((P, H), cmap2),
            pl.BlockSpec((P,), cmap1),
            pl.BlockSpec((1, N, 3), lambda b: (b, 0, 0)),
            pl.BlockSpec(cp2.shape, cmap2),
        ],
        out_specs=(
            pl.BlockSpec((1, N, 3), lambda b: (b, 0, 0)),
            pl.BlockSpec((1, N, 3), lambda b: (b, 0, 0)),
            pl.BlockSpec((1, _K, P), lambda b: (b, 0, 0)),
        ),
        out_shape=(
            jax.ShapeDtypeStruct((B, N, 3), jnp.float32),
            jax.ShapeDtypeStruct((B, N, 3), jnp.float32),
            jax.ShapeDtypeStruct((B, _K, P), jnp.float32),
        ),
        scratch_shapes=[pltpu.VMEM((R, P), jnp.float32)],
    )(xc, xt, W1, b1, g1, be1, W2, b2, g2, be2, W3, b3, src, cp2)


def kernel(source_rigid_2, per_point_feats, tgt_points, tgt_point_feats,
           W1, b1, g1, be1, W2, b2, g2, be2, W3, b3):
    B, N, _ = source_rigid_2.shape
    M = tgt_points.shape[1]
    F = per_point_feats.shape[-1]

    src_t = jnp.transpose(source_rigid_2, (2, 0, 1))
    tgt_t = jnp.transpose(tgt_points, (2, 0, 1))

    cp_flat_idx, cp_t, nn_flat_idx = _fps_knn(src_t, tgt_t)

    ctrl_feats, tgt_feats = _sc_gather2(
        per_point_feats.reshape(B * N, F), cp_flat_idx.reshape(B * _K),
        tgt_point_feats.reshape(B * M, F), nn_flat_idx.reshape(B * _K))

    output, delta, w = _mlp_rbf(ctrl_feats, tgt_feats, W1, b1, g1, be1,
                                W2, b2, g2, be2, W3, b3,
                                source_rigid_2, cp_t.reshape(3, B * _K))

    control_points = jnp.transpose(cp_t, (1, 2, 0))
    return (output, delta, control_points, w)

# --- scband reference (transcript-rebuilt; emitter-appended) ---
"""Pipeline reference for scband-control-point-deformation-56831007261103 (READ-ONLY COPY).

The authoritative reference and input builder live on the scoring server;
editing this copy changes nothing except your own understanding.
"""

import jax, jax.numpy as jnp
import numpy as np

FEATURE_DIM = 1024
TGT_FEATURE_DIM = 1024
HIDDEN = 512
N_CONTROL = 128
SIGMA = 0.5
EPS = 1e-5


def setup_inputs(seed: int = 0) -> dict:
    key = jax.random.key(seed)
    ks = jax.random.split(key, 8)
    B, N, M, F = 4, 4096, 4096, FEATURE_DIM
    d_in = FEATURE_DIM + TGT_FEATURE_DIM
    inp = {}
    inp['source_rigid_2'] = jax.random.normal(ks[0], (B, N, 3), dtype=jnp.float32)
    inp['per_point_feats'] = jax.random.normal(ks[1], (B, N, F), dtype=jnp.float32)
    inp['tgt_points'] = jax.random.normal(ks[2], (B, M, 3), dtype=jnp.float32)
    inp['tgt_point_feats'] = jax.random.normal(ks[3], (B, M, F), dtype=jnp.float32)
    inp['W1'] = jax.random.normal(ks[4], (HIDDEN, d_in), dtype=jnp.float32) * (1.0 / np.sqrt(d_in))
    inp['b1'] = jnp.zeros((HIDDEN,), jnp.float32)
    inp['g1'] = jnp.ones((HIDDEN,), jnp.float32)
    inp['be1'] = jnp.zeros((HIDDEN,), jnp.float32)
    inp['W2'] = jax.random.normal(ks[5], (HIDDEN, HIDDEN), dtype=jnp.float32) * (1.0 / np.sqrt(HIDDEN))
    inp['b2'] = jnp.zeros((HIDDEN,), jnp.float32)
    inp['g2'] = jnp.ones((HIDDEN,), jnp.float32)
    inp['be2'] = jnp.zeros((HIDDEN,), jnp.float32)
    # final layer zero-initialized, matching the torch module's nn.init.zeros_
    inp['W3'] = jnp.zeros((3, HIDDEN), jnp.float32)
    inp['b3'] = jnp.zeros((3,), jnp.float32)
    return inp


def _fps(points, K):
    # farthest point sampling; indices are non-differentiable
    pts = jax.lax.stop_gradient(points)
    B, N, _ = pts.shape
    farthest0 = jnp.zeros((B,), dtype=jnp.int32)
    distances0 = jnp.full((B, N), jnp.inf, dtype=pts.dtype)

    def step(carry, _):
        distances, farthest = carry
        centroid = jnp.take_along_axis(pts, farthest[:, None, None], axis=1)  # (B,1,3)
        dist = jnp.sum((pts - centroid) ** 2, axis=-1)
        distances = jnp.minimum(distances, dist)
        new_far = jnp.argmax(distances, axis=-1).astype(jnp.int32)
        return (distances, new_far), new_far

    (_, _), rest = jax.lax.scan(step, (distances0, farthest0), None, length=K - 1)
    indices = jnp.concatenate([farthest0[None, :], rest], axis=0)  # (K, B)
    return indices.T  # (B, K)


def _bn(x, g, b):
    mu = jnp.mean(x, axis=0)
    var = jnp.var(x, axis=0)  # biased, matches torch BN training normalization
    return (x - mu) / jnp.sqrt(var + EPS) * g + b


def reference(source_rigid_2, per_point_feats, tgt_points, tgt_point_feats,
              W1, b1, g1, be1, W2, b2, g2, be2, W3, b3):
    B, N, _ = source_rigid_2.shape
    K = min(N_CONTROL, N)
    cp_idx = _fps(source_rigid_2, K)  # (B, K)
    control_points = jnp.take_along_axis(source_rigid_2, cp_idx[:, :, None], axis=1)  # (B,K,3)
    control_feats = jnp.take_along_axis(per_point_feats, cp_idx[:, :, None], axis=1)  # (B,K,F)
    # cdist + nearest neighbor in target cloud
    d2 = jnp.sum((control_points[:, :, None, :] - tgt_points[:, None, :, :]) ** 2, axis=-1)
    dists = jnp.sqrt(jnp.maximum(d2, 0.0))
    nn_idx = jnp.argmin(dists, axis=-1)  # (B, K)
    tgt_local_feats = jnp.take_along_axis(tgt_point_feats, nn_idx[:, :, None], axis=1)  # (B,K,Ft)
    mlp_in = jnp.concatenate([control_feats, tgt_local_feats], axis=-1).reshape(B * K, -1)
    h = jax.nn.relu(_bn(mlp_in @ W1.T + b1, g1, be1))
    h = jax.nn.relu(_bn(h @ W2.T + b2, g2, be2))
    w = (h @ W3.T + b3).reshape(B, K, 3)
    # RBF interpolation
    sq = jnp.sum((source_rigid_2[:, :, None, :] - control_points[:, None, :, :]) ** 2, axis=-1)
    weights = jax.nn.softmax(-sq / (2.0 * SIGMA ** 2), axis=-1)
    delta = jnp.einsum('bnk,bkc->bnc', weights, w)
    output = source_rigid_2 + delta
    return (output, delta, control_points, w)

if __name__ == "__main__":
    import jax
    _d = setup_inputs()
    print(jax.jit(kernel)(*tuple(_d.values())))

</pallas_src>

<mosaic_0001>
#map = affine_map<(d0, d1) -> (0, 0)>
#map1 = affine_map<(d0, d1) -> (0)>
module attributes {stable_mosaic.version = 14 : i64} {
  func.func @gather_k(%arg0: i32, %arg1: i32, %arg2: memref<16384x1024xf32, #tpu.memory_space<hbm>>, %arg3: memref<512xi32, #tpu.memory_space<hbm>>, %arg4: memref<16384x1024xf32, #tpu.memory_space<hbm>>, %arg5: memref<512xi32, #tpu.memory_space<hbm>>, %arg6: memref<512x1024xf32, #tpu.memory_space<hbm>>, %arg7: memref<512x1024xf32, #tpu.memory_space<hbm>>, %arg8: memref<16xi32, #tpu.memory_space<vmem>>, %arg9: memref<16x1024xf32, #tpu.memory_space<vmem>>, %arg10: memref<16xi32, #tpu.memory_space<vmem>>, %arg11: memref<16x1024xf32, #tpu.memory_space<vmem>>, %arg12: memref<!tpu.dma_semaphore, #tpu.memory_space<semaphore_mem>>, %arg13: memref<!tpu.dma_semaphore, #tpu.memory_space<semaphore_mem>>) attributes {dimension_semantics = [#tpu.dimension_semantics<core_parallel>, #tpu.dimension_semantics<subcore_parallel>], iteration_bounds = array<i64: 2, 16>, scalar_prefetch = 0 : i64, scratch_operands = 6 : i64, tpu.core_type = #tpu.core_type<sc_vector_subcore>, window_params = [{transform_indices = #map}, {transform_indices = #map1}, {transform_indices = #map}, {transform_indices = #map1}, {transform_indices = #map}, {transform_indices = #map}]} {
    %mul3A = arith.constant 2 : i32
    %mul3A_0 = arith.muli %arg1, %mul3A : i32
    %add3A = arith.addi %mul3A_0, %arg0 : i32
    %mul3A_1 = arith.constant 16 : i32
    %mul3A_2 = arith.muli %add3A, %mul3A_1 : i32
    %dma_start3A = tpu.memref_slice %arg3[%mul3A_2] : memref<512xi32, #tpu.memory_space<hbm>> -> memref<16xi32, #tpu.memory_space<hbm>>
    %dma_start3A_3 = tpu.memref_slice %arg3[%mul3A_2] : memref<512xi32, #tpu.memory_space<hbm>> -> memref<16xi32, #tpu.memory_space<hbm>>
    tpu.enqueue_dma source(%dma_start3A_3 : memref<16xi32, #tpu.memory_space<hbm>>) target(%arg8 : memref<16xi32, #tpu.memory_space<vmem>>) target_semaphore(%arg12 : memref<!tpu.dma_semaphore, #tpu.memory_space<semaphore_mem>>)
    %dma_start3A_4 = tpu.memref_slice %arg5[%mul3A_2] : memref<512xi32, #tpu.memory_space<hbm>> -> memref<16xi32, #tpu.memory_space<hbm>>
    %dma_start3A_5 = tpu.memref_slice %arg5[%mul3A_2] : memref<512xi32, #tpu.memory_space<hbm>> -> memref<16xi32, #tpu.memory_space<hbm>>
    tpu.enqueue_dma source(%dma_start3A_5 : memref<16xi32, #tpu.memory_space<hbm>>) target(%arg10 : memref<16xi32, #tpu.memory_space<vmem>>) target_semaphore(%arg13 : memref<!tpu.dma_semaphore, #tpu.memory_space<semaphore_mem>>)
    %dma_wait3A = tpu.memref_slice %arg3[%mul3A_2] : memref<512xi32, #tpu.memory_space<hbm>> -> memref<16xi32, #tpu.memory_space<hbm>>
    %dma_wait3A_6 = tpu.memref_slice %arg3[%mul3A_2] : memref<512xi32, #tpu.memory_space<hbm>> -> memref<16xi32, #tpu.memory_space<hbm>>
    tpu.wait_dma2 semaphore(%arg12 : memref<!tpu.dma_semaphore, #tpu.memory_space<semaphore_mem>>) src(%dma_wait3A_6 : memref<16xi32, #tpu.memory_space<hbm>>) dst(%arg8 : memref<16xi32, #tpu.memory_space<vmem>>)
    %dma_start3A_7 = arith.constant 0 : i32
    %dma_start3A_8 = arith.constant 0 : i32
    %dma_start3A_9 = tpu.memref_slice %arg2[%dma_start3A_7, %dma_start3A_8] : memref<16384x1024xf32, #tpu.memory_space<hbm>> -> memref<16384x1024xf32, #tpu.memory_space<hbm>>
    tpu.enqueue_indirect_dma source(%dma_start3A_9 : memref<16384x1024xf32, #tpu.memory_space<hbm>>) target(%arg9 : memref<16x1024xf32, #tpu.memory_space<vmem>>) offsets(%arg8 : memref<16xi32, #tpu.memory_space<vmem>>) semaphore(%arg12 : memref<!tpu.dma_semaphore, #tpu.memory_space<semaphore_mem>>)
    %dma_wait3A_10 = tpu.memref_slice %arg5[%mul3A_2] : memref<512xi32, #tpu.memory_space<hbm>> -> memref<16xi32, #tpu.memory_space<hbm>>
    %dma_wait3A_11 = tpu.memref_slice %arg5[%mul3A_2] : memref<512xi32, #tpu.memory_space<hbm>> -> memref<16xi32, #tpu.memory_space<hbm>>
    tpu.wait_dma2 semaphore(%arg13 : memref<!tpu.dma_semaphore, #tpu.memory_space<semaphore_mem>>) src(%dma_wait3A_11 : memref<16xi32, #tpu.memory_space<hbm>>) dst(%arg10 : memref<16xi32, #tpu.memory_space<vmem>>)
    %dma_start3A_12 = arith.constant 0 : i32
    %dma_start3A_13 = arith.constant 0 : i32
    %dma_start3A_14 = tpu.memref_slice %arg4[%dma_start3A_12, %dma_start3A_13] : memref<16384x1024xf32, #tpu.memory_space<hbm>> -> memref<16384x1024xf32, #tpu.memory_space<hbm>>
    tpu.enqueue_indirect_dma source(%dma_start3A_14 : memref<16384x1024xf32, #tpu.memory_space<hbm>>) target(%arg11 : memref<16x1024xf32, #tpu.memory_space<vmem>>) offsets(%arg10 : memref<16xi32, #tpu.memory_space<vmem>>) semaphore(%arg13 : memref<!tpu.dma_semaphore, #tpu.memory_space<semaphore_mem>>)
    %dma_wait3A_15 = arith.constant 0 : i32
    %dma_wait3A_16 = arith.constant 0 : i32
    %dma_wait3A_17 = tpu.memref_slice %arg2[%dma_wait3A_15, %dma_wait3A_16] : memref<16384x1024xf32, #tpu.memory_space<hbm>> -> memref<16384x1024xf32, #tpu.memory_space<hbm>>
    tpu.wait_indirect_dma semaphore(%arg12 : memref<!tpu.dma_semaphore, #tpu.memory_space<semaphore_mem>>) src(%dma_wait3A_17 : memref<16384x1024xf32, #tpu.memory_space<hbm>>) dst(%arg9 : memref<16x1024xf32, #tpu.memory_space<vmem>>)
    "tpu.region"() ({
      %run_scoped3A = tpu.sem_alloc : memref<!tpu.dma_semaphore, #tpu.memory_space<semaphore_mem>>
      %dma_start3A_21 = arith.constant 0 : i32
      %dma_start3A_22 = tpu.memref_slice %arg6[%mul3A_2, %dma_start3A_21] : memref<512x1024xf32, #tpu.memory_space<hbm>> -> memref<16x1024xf32, #tpu.memory_space<hbm>>
      %dma_start3A_23 = arith.constant 0 : i32
      %dma_start3A_24 = tpu.memref_slice %arg6[%mul3A_2, %dma_start3A_23] : memref<512x1024xf32, #tpu.memory_space<hbm>> -> memref<16x1024xf32, #tpu.memory_space<hbm>>
      tpu.enqueue_dma source(%arg9 : memref<16x1024xf32, #tpu.memory_space<vmem>>) target(%dma_start3A_24 : memref<16x1024xf32, #tpu.memory_space<hbm>>) target_semaphore(%run_scoped3A : memref<!tpu.dma_semaphore, #tpu.memory_space<semaphore_mem>>)
      %dma_wait3A_25 = arith.constant 0 : i32
      %dma_wait3A_26 = tpu.memref_slice %arg6[%mul3A_2, %dma_wait3A_25] : memref<512x1024xf32, #tpu.memory_space<hbm>> -> memref<16x1024xf32, #tpu.memory_space<hbm>>
      %dma_wait3A_27 = arith.constant 0 : i32
      %dma_wait3A_28 = tpu.memref_slice %arg6[%mul3A_2, %dma_wait3A_27] : memref<512x1024xf32, #tpu.memory_space<hbm>> -> memref<16x1024xf32, #tpu.memory_space<hbm>>
      tpu.wait_dma2 semaphore(%run_scoped3A : memref<!tpu.dma_semaphore, #tpu.memory_space<semaphore_mem>>) src(%arg9 : memref<16x1024xf32, #tpu.memory_space<vmem>>) dst(%dma_wait3A_28 : memref<16x1024xf32, #tpu.memory_space<hbm>>)
      tpu.yield
    }) : () -> ()
    %dma_wait3A_18 = arith.constant 0 : i32
    %dma_wait3A_19 = arith.constant 0 : i32
    %dma_wait3A_20 = tpu.memref_slice %arg4[%dma_wait3A_18, %dma_wait3A_19] : memref<16384x1024xf32, #tpu.memory_space<hbm>> -> memref<16384x1024xf32, #tpu.memory_space<hbm>>
    tpu.wait_indirect_dma semaphore(%arg13 : memref<!tpu.dma_semaphore, #tpu.memory_space<semaphore_mem>>) src(%dma_wait3A_20 : memref<16384x1024xf32, #tpu.memory_space<hbm>>) dst(%arg11 : memref<16x1024xf32, #tpu.memory_space<vmem>>)
    "tpu.region"() ({
      %run_scoped3A = tpu.sem_alloc : memref<!tpu.dma_semaphore, #tpu.memory_space<semaphore_mem>>
      %dma_start3A_21 = arith.constant 0 : i32
      %dma_start3A_22 = tpu.memref_slice %arg7[%mul3A_2, %dma_start3A_21] : memref<512x1024xf32, #tpu.memory_space<hbm>> -> memref<16x1024xf32, #tpu.memory_space<hbm>>
      %dma_start3A_23 = arith.constant 0 : i32
      %dma_start3A_24 = tpu.memref_slice %arg7[%mul3A_2, %dma_start3A_23] : memref<512x1024xf32, #tpu.memory_space<hbm>> -> memref<16x1024xf32, #tpu.memory_space<hbm>>
      tpu.enqueue_dma source(%arg11 : memref<16x1024xf32, #tpu.memory_space<vmem>>) target(%dma_start3A_24 : memref<16x1024xf32, #tpu.memory_space<hbm>>) target_semaphore(%run_scoped3A : memref<!tpu.dma_semaphore, #tpu.memory_space<semaphore_mem>>)
      %dma_wait3A_25 = arith.constant 0 : i32
      %dma_wait3A_26 = tpu.memref_slice %arg7[%mul3A_2, %dma_wait3A_25] : memref<512x1024xf32, #tpu.memory_space<hbm>> -> memref<16x1024xf32, #tpu.memory_space<hbm>>
      %dma_wait3A_27 = arith.constant 0 : i32
      %dma_wait3A_28 = tpu.memref_slice %arg7[%mul3A_2, %dma_wait3A_27] : memref<512x1024xf32, #tpu.memory_space<hbm>> -> memref<16x1024xf32, #tpu.memory_space<hbm>>
      tpu.wait_dma2 semaphore(%run_scoped3A : memref<!tpu.dma_semaphore, #tpu.memory_space<semaphore_mem>>) src(%arg11 : memref<16x1024xf32, #tpu.memory_space<vmem>>) dst(%dma_wait3A_28 : memref<16x1024xf32, #tpu.memory_space<hbm>>)
      tpu.yield
    }) : () -> ()
    return
  }
}

module attributes {stable_mosaic.version = 14 : i64} {
  func.func @_fps_kernel(%arg0: memref<12x8x512xf32, #tpu.memory_space<vmem>>, %arg1: memref<3x4x4096xf32, #tpu.memory_space<vmem>>, %arg2: memref<4x128xi32, #tpu.memory_space<vmem>>, %arg3: memref<3x4x128xf32, #tpu.memory_space<vmem>>, %arg4: memref<4x128xi32, #tpu.memory_space<vmem>>) attributes {dimension_semantics = [], scalar_prefetch = 0 : i64, scratch_operands = 0 : i64, tpu.core_type = #tpu.core_type<tc>} {
    %get3A = arith.constant 0 : index
    %get3A_0 = arith.constant 0 : index
    %get3A_1 = arith.constant 0 : index
    %get3A_2 = vector.load %arg0[%get3A, %get3A_0, %get3A_1] : memref<12x8x512xf32, #tpu.memory_space<vmem>>, vector<12x8x512xf32>
    %iota3A = tpu.iota {dimensions = array<i32: 1>} : vector<4x8x512xi32>
    %mul3A = arith.constant 512 : i32
    %mul3A_3 = vector.broadcast %mul3A : i32 to vector<4x8x512xi32>
    %mul3A_4 = arith.muli %iota3A, %mul3A_3 : vector<4x8x512xi32>
    %iota3A_5 = tpu.iota {dimensions = array<i32: 2>} : vector<4x8x512xi32>
    %add3A = arith.addi %mul3A_4, %iota3A_5 : vector<4x8x512xi32>
    %iota3A_6 = tpu.iota {dimensions = array<i32: 1>} : vector<4x128xi32>
    %iota3A_7 = tpu.iota {dimensions = array<i32: 0>} : vector<4x1xi32>
    %mul3A_8 = arith.constant 4096 : i32
    %mul3A_9 = vector.broadcast %mul3A_8 : i32 to vector<4x1xi32>
    %mul3A_10 = arith.muli %iota3A_7, %mul3A_9 : vector<4x1xi32>
    %broadcast_in_dim3A = arith.constant 0x7F800000 : f32
    %broadcast_in_dim3A_11 = vector.broadcast %broadcast_in_dim3A : f32 to vector<4x8x512xf32>
    %broadcast_in_dim3A_12 = arith.constant 0 : i32
    %broadcast_in_dim3A_13 = vector.broadcast %broadcast_in_dim3A_12 : i32 to vector<4x1x1xi32>
    %broadcast_in_dim3A_14 = arith.constant 0.000000e+00 : f32
    %broadcast_in_dim3A_15 = vector.broadcast %broadcast_in_dim3A_14 : f32 to vector<4x128xf32>
    %broadcast_in_dim3A_16 = arith.constant 0 : i32
    %broadcast_in_dim3A_17 = vector.broadcast %broadcast_in_dim3A_16 : i32 to vector<4x128xi32>
    %scan3A = arith.constant 0 : i32
    %scan3A_18 = arith.constant 128 : i32
    %scan3A_19 = arith.addi %scan3A, %scan3A_18 : i32
    %scan3A_20 = arith.constant 4 : i32
    %scan3A_21:6 = scf.for %scan3A_294 = %scan3A to %scan3A_19 step %scan3A_20 iter_args(%scan3A_295 = %broadcast_in_dim3A_11, %scan3A_296 = %broadcast_in_dim3A_13, %scan3A_297 = %broadcast_in_dim3A_17, %scan3A_298 = %broadcast_in_dim3A_15, %scan3A_299 = %broadcast_in_dim3A_15, %scan3A_300 = %broadcast_in_dim3A_15) -> (vector<4x8x512xf32>, vector<4x1x1xi32>, vector<4x128xi32>, vector<4x128xf32>, vector<4x128xf32>, vector<4x128xf32>)  : i32 {
      %eq3A_301 = vector.broadcast %scan3A_296 : vector<4x1x1xi32> to vector<4x8x512xi32>
      %eq3A_302 = arith.cmpi eq, %add3A, %eq3A_301 : vector<4x8x512xi32>
      %concatenate3A = tpu.concatenate %eq3A_302, %eq3A_302, %eq3A_302 in 0 : vector<4x8x512xi1>, vector<4x8x512xi1>, vector<4x8x512xi1> -> vector<12x8x512xi1>
      %jit3A_303 = arith.constant 0.000000e+00 : f32
      %broadcast_in_dim3A_304 = vector.broadcast %jit3A_303 : f32 to vector<12x8x512xf32>
      %select_n3A_305 = arith.select %concatenate3A, %get3A_2, %broadcast_in_dim3A_304 : vector<12x8x512xi1>, vector<12x8x512xf32>
      %reduce_sum3A = arith.constant dense<0.000000e+00> : vector<12xf32>
      %reduce_sum3A_306 = vector.multi_reduction <add>, %select_n3A_305, %reduce_sum3A [1, 2] : vector<12x8x512xf32> to vector<12xf32>
      %broadcast_in_dim3A_307 = vector.shape_cast %reduce_sum3A_306 : vector<12xf32> to vector<12x1x1xf32>
      %eq3A_308 = vector.broadcast %scan3A_294 : i32 to vector<4x128xi32>
      %eq3A_309 = arith.cmpi eq, %iota3A_6, %eq3A_308 : vector<4x128xi32>
      %reshape3A_310 = vector.shape_cast %scan3A_296 : vector<4x1x1xi32> to vector<4x1xi32>
      %add3A_311 = arith.addi %reshape3A_310, %mul3A_10 : vector<4x1xi32>
      %broadcast_in_dim3A_312 = vector.shape_cast %add3A_311 : vector<4x1xi32> to vector<4x1xi32>
      %broadcast_in_dim3A_313 = vector.broadcast %broadcast_in_dim3A_312 : vector<4x1xi32> to vector<4x128xi32>
      %select_n3A_314 = arith.select %eq3A_309, %broadcast_in_dim3A_313, %scan3A_297 : vector<4x128xi1>, vector<4x128xi32>
      %slice3A_315 = vector.extract_strided_slice %broadcast_in_dim3A_307 {offsets = [0, 0, 0], sizes = [4, 1, 1], strides = [1, 1, 1]} : vector<12x1x1xf32> to vector<4x1x1xf32>
      %reshape3A_316 = vector.shape_cast %slice3A_315 : vector<4x1x1xf32> to vector<4x1xf32>
      %broadcast_in_dim3A_317 = vector.shape_cast %reshape3A_316 : vector<4x1xf32> to vector<4x1xf32>
      %broadcast_in_dim3A_318 = vector.broadcast %broadcast_in_dim3A_317 : vector<4x1xf32> to vector<4x128xf32>
      %select_n3A_319 = arith.select %eq3A_309, %broadcast_in_dim3A_318, %scan3A_298 : vector<4x128xi1>, vector<4x128xf32>
      %slice3A_320 = vector.extract_strided_slice %broadcast_in_dim3A_307 {offsets = [4, 0, 0], sizes = [4, 1, 1], strides = [1, 1, 1]} : vector<12x1x1xf32> to vector<4x1x1xf32>
      %reshape3A_321 = vector.shape_cast %slice3A_320 : vector<4x1x1xf32> to vector<4x1xf32>
      %broadcast_in_dim3A_322 = vector.shape_cast %reshape3A_321 : vector<4x1xf32> to vector<4x1xf32>
      %broadcast_in_dim3A_323 = vector.broadcast %broadcast_in_dim3A_322 : vector<4x1xf32> to vector<4x128xf32>
      %select_n3A_324 = arith.select %eq3A_309, %broadcast_in_dim3A_323, %scan3A_299 : vector<4x128xi1>, vector<4x128xf32>
      %slice3A_325 = vector.extract_strided_slice %broadcast_in_dim3A_307 {offsets = [8, 0, 0], sizes = [4, 1, 1], strides = [1, 1, 1]} : vector<12x1x1xf32> to vector<4x1x1xf32>
      %reshape3A_326 = vector.shape_cast %slice3A_325 : vector<4x1x1xf32> to vector<4x1xf32>
      %broadcast_in_dim3A_327 = vector.shape_cast %reshape3A_326 : vector<4x1xf32> to vector<4x1xf32>
      %broadcast_in_dim3A_328 = vector.broadcast %broadcast_in_dim3A_327 : vector<4x1xf32> to vector<4x128xf32>
      %select_n3A_329 = arith.select %eq3A_309, %broadcast_in_dim3A_328, %scan3A_300 : vector<4x128xi1>, vector<4x128xf32>
      %sub3A_330 = vector.broadcast %broadcast_in_dim3A_307 : vector<12x1x1xf32> to vector<12x8x512xf32>
      %sub3A_331 = arith.subf %get3A_2, %sub3A_330 : vector<12x8x512xf32>
      %mul3A_332 = arith.mulf %sub3A_331, %sub3A_331 : vector<12x8x512xf32>
      %slice3A_333 = vector.extract_strided_slice %mul3A_332 {offsets = [0, 0, 0], sizes = [4, 8, 512], strides = [1, 1, 1]} : vector<12x8x512xf32> to vector<4x8x512xf32>
      %slice3A_334 = vector.extract_strided_slice %mul3A_332 {offsets = [4, 0, 0], sizes = [4, 8, 512], strides = [1, 1, 1]} : vector<12x8x512xf32> to vector<4x8x512xf32>
      %add3A_335 = arith.addf %slice3A_333, %slice3A_334 : vector<4x8x512xf32>
      %slice3A_336 = vector.extract_strided_slice %mul3A_332 {offsets = [8, 0, 0], sizes = [4, 8, 512], strides = [1, 1, 1]} : vector<12x8x512xf32> to vector<4x8x512xf32>
      %add3A_337 = arith.addf %add3A_335, %slice3A_336 : vector<4x8x512xf32>
      %min3A = arith.minimumf %scan3A_295, %add3A_337 : vector<4x8x512xf32>
      %reduce_max3A = arith.constant dense<0xFF800000> : vector<4xf32>
      %reduce_max3A_338 = vector.multi_reduction <maximumf>, %min3A, %reduce_max3A [1, 2] : vector<4x8x512xf32> to vector<4xf32>
      %broadcast_in_dim3A_339 = vector.shape_cast %reduce_max3A_338 : vector<4xf32> to vector<4x1x1xf32>
      %eq3A_340 = vector.broadcast %broadcast_in_dim3A_339 : vector<4x1x1xf32> to vector<4x8x512xf32>
      %eq3A_341 = arith.cmpf oeq, %min3A, %eq3A_340 : vector<4x8x512xf32>
      %jit3A_342 = arith.constant 4096 : i32
      %broadcast_in_dim3A_343 = vector.broadcast %jit3A_342 : i32 to vector<4x8x512xi32>
      %select_n3A_344 = arith.select %eq3A_341, %add3A, %broadcast_in_dim3A_343 : vector<4x8x512xi1>, vector<4x8x512xi32>
      %reduce_min3A_345 = arith.constant dense<2147483647> : vector<4xi32>
      %reduce_min3A_346 = vector.multi_reduction <minsi>, %select_n3A_344, %reduce_min3A_345 [1, 2] : vector<4x8x512xi32> to vector<4xi32>
      %broadcast_in_dim3A_347 = vector.shape_cast %reduce_min3A_346 : vector<4xi32> to vector<4x1x1xi32>
      %scan3A_348 = arith.constant 1 : i32
      %scan3A_349 = arith.addi %scan3A_294, %scan3A_348 : i32
      %eq3A_350 = vector.broadcast %broadcast_in_dim3A_347 : vector<4x1x1xi32> to vector<4x8x512xi32>
      %eq3A_351 = arith.cmpi eq, %add3A, %eq3A_350 : vector<4x8x512xi32>
      %concatenate3A_352 = tpu.concatenate %eq3A_351, %eq3A_351, %eq3A_351 in 0 : vector<4x8x512xi1>, vector<4x8x512xi1>, vector<4x8x512xi1> -> vector<12x8x512xi1>
      %jit3A_353 = arith.constant 0.000000e+00 : f32
      %broadcast_in_dim3A_354 = vector.broadcast %jit3A_353 : f32 to vector<12x8x512xf32>
      %select_n3A_355 = arith.select %concatenate3A_352, %get3A_2, %broadcast_in_dim3A_354 : vector<12x8x512xi1>, vector<12x8x512xf32>
      %reduce_sum3A_356 = arith.constant dense<0.000000e+00> : vector<12xf32>
      %reduce_sum3A_357 = vector.multi_reduction <add>, %select_n3A_355, %reduce_sum3A_356 [1, 2] : vector<12x8x512xf32> to vector<12xf32>
      %broadcast_in_dim3A_358 = vector.shape_cast %reduce_sum3A_357 : vector<12xf32> to vector<12x1x1xf32>
      %eq3A_359 = vector.broadcast %scan3A_349 : i32 to vector<4x128xi32>
      %eq3A_360 = arith.cmpi eq, %iota3A_6, %eq3A_359 : vector<4x128xi32>
      %reshape3A_361 = vector.shape_cast %broadcast_in_dim3A_347 : vector<4x1x1xi32> to vector<4x1xi32>
      %add3A_362 = arith.addi %reshape3A_361, %mul3A_10 : vector<4x1xi32>
      %broadcast_in_dim3A_363 = vector.shape_cast %add3A_362 : vector<4x1xi32> to vector<4x1xi32>
      %broadcast_in_dim3A_364 = vector.broadcast %broadcast_in_dim3A_363 : vector<4x1xi32> to vector<4x128xi32>
      %select_n3A_365 = arith.select %eq3A_360, %broadcast_in_dim3A_364, %select_n3A_314 : vector<4x128xi1>, vector<4x128xi32>
      %slice3A_366 = vector.extract_strided_slice %broadcast_in_dim3A_358 {offsets = [0, 0, 0], sizes = [4, 1, 1], strides = [1, 1, 1]} : vector<12x1x1xf32> to vector<4x1x1xf32>
      %reshape3A_367 = vector.shape_cast %slice3A_366 : vector<4x1x1xf32> to vector<4x1xf32>
      %broadcast_in_dim3A_368 = vector.shape_cast %reshape3A_367 : vector<4x1xf32> to vector<4x1xf32>
      %broadcast_in_dim3A_369 = vector.broadcast %broadcast_in_dim3A_368 : vector<4x1xf32> to vector<4x128xf32>
      %select_n3A_370 = arith.select %eq3A_360, %broadcast_in_dim3A_369, %select_n3A_319 : vector<4x128xi1>, vector<4x128xf32>
      %slice3A_371 = vector.extract_strided_slice %broadcast_in_dim3A_358 {offsets = [4, 0, 0], sizes = [4, 1, 1], strides = [1, 1, 1]} : vector<12x1x1xf32> to vector<4x1x1xf32>
      %reshape3A_372 = vector.shape_cast %slice3A_371 : vector<4x1x1xf32> to vector<4x1xf32>
      %broadcast_in_dim3A_373 = vector.shape_cast %reshape3A_372 : vector<4x1xf32> to vector<4x1xf32>
      %broadcast_in_dim3A_374 = vector.broadcast %broadcast_in_dim3A_373 : vector<4x1xf32> to vector<4x128xf32>
      %select_n3A_375 = arith.select %eq3A_360, %broadcast_in_dim3A_374, %select_n3A_324 : vector<4x128xi1>, vector<4x128xf32>
      %slice3A_376 = vector.extract_strided_slice %broadcast_in_dim3A_358 {offsets = [8, 0, 0], sizes = [4, 1, 1], strides = [1, 1, 1]} : vector<12x1x1xf32> to vector<4x1x1xf32>
      %reshape3A_377 = vector.shape_cast %slice3A_376 : vector<4x1x1xf32> to vector<4x1xf32>
      %broadcast_in_dim3A_378 = vector.shape_cast %reshape3A_377 : vector<4x1xf32> to vector<4x1xf32>
      %broadcast_in_dim3A_379 = vector.broadcast %broadcast_in_dim3A_378 : vector<4x1xf32> to vector<4x128xf32>
      %select_n3A_380 = arith.select %eq3A_360, %broadcast_in_dim3A_379, %select_n3A_329 : vector<4x128xi1>, vector<4x128xf32>
      %sub3A_381 = vector.broadcast %broadcast_in_dim3A_358 : vector<12x1x1xf32> to vector<12x8x512xf32>
      %sub3A_382 = arith.subf %get3A_2, %sub3A_381 : vector<12x8x512xf32>
      %mul3A_383 = arith.mulf %sub3A_382, %sub3A_382 : vector<12x8x512xf32>
      %slice3A_384 = vector.extract_strided_slice %mul3A_383 {offsets = [0, 0, 0], sizes = [4, 8, 512], strides = [1, 1, 1]} : vector<12x8x512xf32> to vector<4x8x512xf32>
      %slice3A_385 = vector.extract_strided_slice %mul3A_383 {offsets = [4, 0, 0], sizes = [4, 8, 512], strides = [1, 1, 1]} : vector<12x8x512xf32> to vector<4x8x512xf32>
      %add3A_386 = arith.addf %slice3A_384, %slice3A_385 : vector<4x8x512xf32>
      %slice3A_387 = vector.extract_strided_slice %mul3A_383 {offsets = [8, 0, 0], sizes = [4, 8, 512], strides = [1, 1, 1]} : vector<12x8x512xf32> to vector<4x8x512xf32>
      %add3A_388 = arith.addf %add3A_386, %slice3A_387 : vector<4x8x512xf32>
      %min3A_389 = arith.minimumf %min3A, %add3A_388 : vector<4x8x512xf32>
      %reduce_max3A_390 = arith.constant dense<0xFF800000> : vector<4xf32>
      %reduce_max3A_391 = vector.multi_reduction <maximumf>, %min3A_389, %reduce_max3A_390 [1, 2] : vector<4x8x512xf32> to vector<4xf32>
      %broadcast_in_dim3A_392 = vector.shape_cast %reduce_max3A_391 : vector<4xf32> to vector<4x1x1xf32>
      %eq3A_393 = vector.broadcast %broadcast_in_dim3A_392 : vector<4x1x1xf32> to vector<4x8x512xf32>
      %eq3A_394 = arith.cmpf oeq, %min3A_389, %eq3A_393 : vector<4x8x512xf32>
      %jit3A_395 = arith.constant 4096 : i32
      %broadcast_in_dim3A_396 = vector.broadcast %jit3A_395 : i32 to vector<4x8x512xi32>
      %select_n3A_397 = arith.select %eq3A_394, %add3A, %broadcast_in_dim3A_396 : vector<4x8x512xi1>, vector<4x8x512xi32>
      %reduce_min3A_398 = arith.constant dense<2147483647> : vector<4xi32>
      %reduce_min3A_399 = vector.multi_reduction <minsi>, %select_n3A_397, %reduce_min3A_398 [1, 2] : vector<4x8x512xi32> to vector<4xi32>
      %broadcast_in_dim3A_400 = vector.shape_cast %reduce_min3A_399 : vector<4xi32> to vector<4x1x1xi32>
      %scan3A_401 = arith.constant 2 : i32
      %scan3A_402 = arith.addi %scan3A_294, %scan3A_401 : i32
      %eq3A_403 = vector.broadcast %broadcast_in_dim3A_400 : vector<4x1x1xi32> to vector<4x8x512xi32>
      %eq3A_404 = arith.cmpi eq, %add3A, %eq3A_403 : vector<4x8x512xi32>
      %concatenate3A_405 = tpu.concatenate %eq3A_404, %eq3A_404, %eq3A_404 in 0 : vector<4x8x512xi1>, vector<4x8x512xi1>, vector<4x8x512xi1> -> vector<12x8x512xi1>
      %jit3A_406 = arith.constant 0.000000e+00 : f32
      %broadcast_in_dim3A_407 = vector.broadcast %jit3A_406 : f32 to vector<12x8x512xf32>
      %select_n3A_408 = arith.select %concatenate3A_405, %get3A_2, %broadcast_in_dim3A_407 : vector<12x8x512xi1>, vector<12x8x512xf32>
      %reduce_sum3A_409 = arith.constant dense<0.000000e+00> : vector<12xf32>
      %reduce_sum3A_410 = vector.multi_reduction <add>, %select_n3A_408, %reduce_sum3A_409 [1, 2] : vector<12x8x512xf32> to vector<12xf32>
      %broadcast_in_dim3A_411 = vector.shape_cast %reduce_sum3A_410 : vector<12xf32> to vector<12x1x1xf32>
      %eq3A_412 = vector.broadcast %scan3A_402 : i32 to vector<4x128xi32>
      %eq3A_413 = arith.cmpi eq, %iota3A_6, %eq3A_412 : vector<4x128xi32>
      %reshape3A_414 = vector.shape_cast %broadcast_in_dim3A_400 : vector<4x1x1xi32> to vector<4x1xi32>
      %add3A_415 = arith.addi %reshape3A_414, %mul3A_10 : vector<4x1xi32>
      %broadcast_in_dim3A_416 = vector.shape_cast %add3A_415 : vector<4x1xi32> to vector<4x1xi32>
      %broadcast_in_dim3A_417 = vector.broadcast %broadcast_in_dim3A_416 : vector<4x1xi32> to vector<4x128xi32>
      %select_n3A_418 = arith.select %eq3A_413, %broadcast_in_dim3A_417, %select_n3A_365 : vector<4x128xi1>, vector<4x128xi32>
      %slice3A_419 = vector.extract_strided_slice %broadcast_in_dim3A_411 {offsets = [0, 0, 0], sizes = [4, 1, 1], strides = [1, 1, 1]} : vector<12x1x1xf32> to vector<4x1x1xf32>
      %reshape3A_420 = vector.shape_cast %slice3A_419 : vector<4x1x1xf32> to vector<4x1xf32>
      %broadcast_in_dim3A_421 = vector.shape_cast %reshape3A_420 : vector<4x1xf32> to vector<4x1xf32>
      %broadcast_in_dim3A_422 = vector.broadcast %broadcast_in_dim3A_421 : vector<4x1xf32> to vector<4x128xf32>
      %select_n3A_423 = arith.select %eq3A_413, %broadcast_in_dim3A_422, %select_n3A_370 : vector<4x128xi1>, vector<4x128xf32>
      %slice3A_424 = vector.extract_strided_slice %broadcast_in_dim3A_411 {offsets = [4, 0, 0], sizes = [4, 1, 1], strides = [1, 1, 1]} : vector<12x1x1xf32> to vector<4x1x1xf32>
      %reshape3A_425 = vector.shape_cast %slice3A_424 : vector<4x1x1xf32> to vector<4x1xf32>
      %broadcast_in_dim3A_426 = vector.shape_cast %reshape3A_425 : vector<4x1xf32> to vector<4x1xf32>
      %broadcast_in_dim3A_427 = vector.broadcast %broadcast_in_dim3A_426 : vector<4x1xf32> to vector<4x128xf32>
      %select_n3A_428 = arith.select %eq3A_413, %broadcast_in_dim3A_427, %select_n3A_375 : vector<4x128xi1>, vector<4x128xf32>
      %slice3A_429 = vector.extract_strided_slice %broadcast_in_dim3A_411 {offsets = [8, 0, 0], sizes = [4, 1, 1], strides = [1, 1, 1]} : vector<12x1x1xf32> to vector<4x1x1xf32>
      %reshape3A_430 = vector.shape_cast %slice3A_429 : vector<4x1x1xf32> to vector<4x1xf32>
      %broadcast_in_dim3A_431 = vector.shape_cast %reshape3A_430 : vector<4x1xf32> to vector<4x1xf32>
      %broadcast_in_dim3A_432 = vector.broadcast %broadcast_in_dim3A_431 : vector<4x1xf32> to vector<4x128xf32>
      %select_n3A_433 = arith.select %eq3A_413, %broadcast_in_dim3A_432, %select_n3A_380 : vector<4x128xi1>, vector<4x128xf32>
      %sub3A_434 = vector.broadcast %broadcast_in_dim3A_411 : vector<12x1x1xf32> to vector<12x8x512xf32>
      %sub3A_435 = arith.subf %get3A_2, %sub3A_434 : vector<12x8x512xf32>
      %mul3A_436 = arith.mulf %sub3A_435, %sub3A_435 : vector<12x8x512xf32>
      %slice3A_437 = vector.extract_strided_slice %mul3A_436 {offsets = [0, 0, 0], sizes = [4, 8, 512], strides = [1, 1, 1]} : vector<12x8x512xf32> to vector<4x8x512xf32>
      %slice3A_438 = vector.extract_strided_slice %mul3A_436 {offsets = [4, 0, 0], sizes = [4, 8, 512], strides = [1, 1, 1]} : vector<12x8x512xf32> to vector<4x8x512xf32>
      %add3A_439 = arith.addf %slice3A_437, %slice3A_438 : vector<4x8x512xf32>
      %slice3A_440 = vector.extract_strided_slice %mul3A_436 {offsets = [8, 0, 0], sizes = [4, 8, 512], strides = [1, 1, 1]} : vector<12x8x512xf32> to vector<4x8x512xf32>
      %add3A_441 = arith.addf %add3A_439, %slice3A_440 : vector<4x8x512xf32>
      %min3A_442 = arith.minimumf %min3A_389, %add3A_441 : vector<4x8x512xf32>
      %reduce_max3A_443 = arith.constant dense<0xFF800000> : vector<4xf32>
      %reduce_max3A_444 = vector.multi_reduction <maximumf>, %min3A_442, %reduce_max3A_443 [1, 2] : vector<4x8x512xf32> to vector<4xf32>
      %broadcast_in_dim3A_445 = vector.shape_cast %reduce_max3A_444 : vector<4xf32> to vector<4x1x1xf32>
      %eq3A_446 = vector.broadcast %broadcast_in_dim3A_445 : vector<4x1x1xf32> to vector<4x8x512xf32>
      %eq3A_447 = arith.cmpf oeq, %min3A_442, %eq3A_446 : vector<4x8x512xf32>
      %jit3A_448 = arith.constant 4096 : i32
      %broadcast_in_dim3A_449 = vector.broadcast %jit3A_448 : i32 to vector<4x8x512xi32>
      %select_n3A_450 = arith.select %eq3A_447, %add3A, %broadcast_in_dim3A_449 : vector<4x8x512xi1>, vector<4x8x512xi32>
      %reduce_min3A_451 = arith.constant dense<2147483647> : vector<4xi32>
      %reduce_min3A_452 = vector.multi_reduction <minsi>, %select_n3A_450, %reduce_min3A_451 [1, 2] : vector<4x8x512xi32> to vector<4xi32>
      %broadcast_in_dim3A_453 = vector.shape_cast %reduce_min3A_452 : vector<4xi32> to vector<4x1x1xi32>
      %scan3A_454 = arith.constant 3 : i32
      %scan3A_455 = arith.addi %scan3A_294, %scan3A_454 : i32
      %eq3A_456 = vector.broadcast %broadcast_in_dim3A_453 : vector<4x1x1xi32> to vector<4x8x512xi32>
      %eq3A_457 = arith.cmpi eq, %add3A, %eq3A_456 : vector<4x8x512xi32>
      %concatenate3A_458 = tpu.concatenate %eq3A_457, %eq3A_457, %eq3A_457 in 0 : vector<4x8x512xi1>, vector<4x8x512xi1>, vector<4x8x512xi1> -> vector<12x8x512xi1>
      %jit3A_459 = arith.constant 0.000000e+00 : f32
      %broadcast_in_dim3A_460 = vector.broadcast %jit3A_459 : f32 to vector<12x8x512xf32>
      %select_n3A_461 = arith.select %concatenate3A_458, %get3A_2, %broadcast_in_dim3A_460 : vector<12x8x512xi1>, vector<12x8x512xf32>
      %reduce_sum3A_462 = arith.constant dense<0.000000e+00> : vector<12xf32>
      %reduce_sum3A_463 = vector.multi_reduction <add>, %select_n3A_461, %reduce_sum3A_462 [1, 2] : vector<12x8x512xf32> to vector<12xf32>
      %broadcast_in_dim3A_464 = vector.shape_cast %reduce_sum3A_463 : vector<12xf32> to vector<12x1x1xf32>
      %eq3A_465 = vector.broadcast %scan3A_455 : i32 to vector<4x128xi32>
      %eq3A_466 = arith.cmpi eq, %iota3A_6, %eq3A_465 : vector<4x128xi32>
      %reshape3A_467 = vector.shape_cast %broadcast_in_dim3A_453 : vector<4x1x1xi32> to vector<4x1xi32>
      %add3A_468 = arith.addi %reshape3A_467, %mul3A_10 : vector<4x1xi32>
      %broadcast_in_dim3A_469 = vector.shape_cast %add3A_468 : vector<4x1xi32> to vector<4x1xi32>
      %broadcast_in_dim3A_470 = vector.broadcast %broadcast_in_dim3A_469 : vector<4x1xi32> to vector<4x128xi32>
      %select_n3A_471 = arith.select %eq3A_466, %broadcast_in_dim3A_470, %select_n3A_418 : vector<4x128xi1>, vector<4x128xi32>
      %slice3A_472 = vector.extract_strided_slice %broadcast_in_dim3A_464 {offsets = [0, 0, 0], sizes = [4, 1, 1], strides = [1, 1, 1]} : vector<12x1x1xf32> to vector<4x1x1xf32>
      %reshape3A_473 = vector.shape_cast %slice3A_472 : vector<4x1x1xf32> to vector<4x1xf32>
      %broadcast_in_dim3A_474 = vector.shape_cast %reshape3A_473 : vector<4x1xf32> to vector<4x1xf32>
      %broadcast_in_dim3A_475 = vector.broadcast %broadcast_in_dim3A_474 : vector<4x1xf32> to vector<4x128xf32>
      %select_n3A_476 = arith.select %eq3A_466, %broadcast_in_dim3A_475, %select_n3A_423 : vector<4x128xi1>, vector<4x128xf32>
      %slice3A_477 = vector.extract_strided_slice %broadcast_in_dim3A_464 {offsets = [4, 0, 0], sizes = [4, 1, 1], strides = [1, 1, 1]} : vector<12x1x1xf32> to vector<4x1x1xf32>
      %reshape3A_478 = vector.shape_cast %slice3A_477 : vector<4x1x1xf32> to vector<4x1xf32>
      %broadcast_in_dim3A_479 = vector.shape_cast %reshape3A_478 : vector<4x1xf32> to vector<4x1xf32>
      %broadcast_in_dim3A_480 = vector.broadcast %broadcast_in_dim3A_479 : vector<4x1xf32> to vector<4x128xf32>
      %select_n3A_481 = arith.select %eq3A_466, %broadcast_in_dim3A_480, %select_n3A_428 : vector<4x128xi1>, vector<4x128xf32>
      %slice3A_482 = vector.extract_strided_slice %broadcast_in_dim3A_464 {offsets = [8, 0, 0], sizes = [4, 1, 1], strides = [1, 1, 1]} : vector<12x1x1xf32> to vector<4x1x1xf32>
      %reshape3A_483 = vector.shape_cast %slice3A_482 : vector<4x1x1xf32> to vector<4x1xf32>
      %broadcast_in_dim3A_484 = vector.shape_cast %reshape3A_483 : vector<4x1xf32> to vector<4x1xf32>
      %broadcast_in_dim3A_485 = vector.broadcast %broadcast_in_dim3A_484 : vector<4x1xf32> to vector<4x128xf32>
      %select_n3A_486 = arith.select %eq3A_466, %broadcast_in_dim3A_485, %select_n3A_433 : vector<4x128xi1>, vector<4x128xf32>
      %sub3A_487 = vector.broadcast %broadcast_in_dim3A_464 : vector<12x1x1xf32> to vector<12x8x512xf32>
      %sub3A_488 = arith.subf %get3A_2, %sub3A_487 : vector<12x8x512xf32>
      %mul3A_489 = arith.mulf %sub3A_488, %sub3A_488 : vector<12x8x512xf32>
      %slice3A_490 = vector.extract_strided_slice %mul3A_489 {offsets = [0, 0, 0], sizes = [4, 8, 512], strides = [1, 1, 1]} : vector<12x8x512xf32> to vector<4x8x512xf32>
      %slice3A_491 = vector.extract_strided_slice %mul3A_489 {offsets = [4, 0, 0], sizes = [4, 8, 512], strides = [1, 1, 1]} : vector<12x8x512xf32> to vector<4x8x512xf32>
      %add3A_492 = arith.addf %slice3A_490, %slice3A_491 : vector<4x8x512xf32>
      %slice3A_493 = vector.extract_strided_slice %mul3A_489 {offsets = [8, 0, 0], sizes = [4, 8, 512], strides = [1, 1, 1]} : vector<12x8x512xf32> to vector<4x8x512xf32>
      %add3A_494 = arith.addf %add3A_492, %slice3A_493 : vector<4x8x512xf32>
      %min3A_495 = arith.minimumf %min3A_442, %add3A_494 : vector<4x8x512xf32>
      %reduce_max3A_496 = arith.constant dense<0xFF800000> : vector<4xf32>
      %reduce_max3A_497 = vector.multi_reduction <maximumf>, %min3A_495, %reduce_max3A_496 [1, 2] : vector<4x8x512xf32> to vector<4xf32>
      %broadcast_in_dim3A_498 = vector.shape_cast %reduce_max3A_497 : vector<4xf32> to vector<4x1x1xf32>
      %eq3A_499 = vector.broadcast %broadcast_in_dim3A_498 : vector<4x1x1xf32> to vector<4x8x512xf32>
      %eq3A_500 = arith.cmpf oeq, %min3A_495, %eq3A_499 : vector<4x8x512xf32>
      %jit3A_501 = arith.constant 4096 : i32
      %broadcast_in_dim3A_502 = vector.broadcast %jit3A_501 : i32 to vector<4x8x512xi32>
      %select_n3A_503 = arith.select %eq3A_500, %add3A, %broadcast_in_dim3A_502 : vector<4x8x512xi1>, vector<4x8x512xi32>
      %reduce_min3A_504 = arith.constant dense<2147483647> : vector<4xi32>
      %reduce_min3A_505 = vector.multi_reduction <minsi>, %select_n3A_503, %reduce_min3A_504 [1, 2] : vector<4x8x512xi32> to vector<4xi32>
      %broadcast_in_dim3A_506 = vector.shape_cast %reduce_min3A_505 : vector<4xi32> to vector<4x1x1xi32>
      scf.yield %min3A_495, %broadcast_in_dim3A_506, %select_n3A_471, %select_n3A_476, %select_n3A_481, %select_n3A_486 : vector<4x8x512xf32>, vector<4x1x1xi32>, vector<4x128xi32>, vector<4x128xf32>, vector<4x128xf32>, vector<4x128xf32>
    }
    %scan3A_22 = arith.constant 128 : i32
    %swap3A = arith.constant 0 : index
    %swap3A_23 = arith.constant 0 : index
    %swap3A_24 = vector.load %arg2[%swap3A, %swap3A_23] : memref<4x128xi32, #tpu.memory_space<vmem>>, vector<4x128xi32>
    tpu.vector_store %arg2[%swap3A, %swap3A_23], %scan3A_21#2 {strides = array<i32>} : memref<4x128xi32, #tpu.memory_space<vmem>>, vector<4x128xi32>,
    %swap3A_25 = arith.constant 0 : index
    %swap3A_26 = arith.constant 0 : index
    %swap3A_27 = arith.constant 0 : index
    %swap3A_28 = vector.load %arg3[%swap3A_25, %swap3A_26, %swap3A_27] : memref<3x4x128xf32, #tpu.memory_space<vmem>>, vector<1x4x128xf32>
    %swap3A_29 = vector.shape_cast %swap3A_28 : vector<1x4x128xf32> to vector<4x128xf32>
    %swap3A_30 = vector.shape_cast %scan3A_21#3 : vector<4x128xf32> to vector<1x4x128xf32>
    tpu.vector_store %arg3[%swap3A_25, %swap3A_26, %swap3A_27], %swap3A_30 {strides = array<i32>} : memref<3x4x128xf32, #tpu.memory_space<vmem>>, vector<1x4x128xf32>,
    %swap3A_31 = arith.constant 1 : index
    %swap3A_32 = arith.constant 0 : index
    %swap3A_33 = arith.constant 0 : index
    %swap3A_34 = vector.load %arg3[%swap3A_31, %swap3A_32, %swap3A_33] : memref<3x4x128xf32, #tpu.memory_space<vmem>>, vector<1x4x128xf32>
    %swap3A_35 = vector.shape_cast %swap3A_34 : vector<1x4x128xf32> to vector<4x128xf32>
    %swap3A_36 = vector.shape_cast %scan3A_21#4 : vector<4x128xf32> to vector<1x4x128xf32>
    tpu.vector_store %arg3[%swap3A_31, %swap3A_32, %swap3A_33], %swap3A_36 {strides = array<i32>} : memref<3x4x128xf32, #tpu.memory_space<vmem>>, vector<1x4x128xf32>,
    %swap3A_37 = arith.constant 2 : index
    %swap3A_38 = arith.constant 0 : index
    %swap3A_39 = arith.constant 0 : index
    %swap3A_40 = vector.load %arg3[%swap3A_37, %swap3A_38, %swap3A_39] : memref<3x4x128xf32, #tpu.memory_space<vmem>>, vector<1x4x128xf32>
    %swap3A_41 = vector.shape_cast %swap3A_40 : vector<1x4x128xf32> to vector<4x128xf32>
    %swap3A_42 = vector.shape_cast %scan3A_21#5 : vector<4x128xf32> to vector<1x4x128xf32>
    tpu.vector_store %arg3[%swap3A_37, %swap3A_38, %swap3A_39], %swap3A_42 {strides = array<i32>} : memref<3x4x128xf32, #tpu.memory_space<vmem>>, vector<1x4x128xf32>,
    %iota3A_43 = tpu.iota {dimensions = array<i32: 1>} : vector<128x4096xi32>
    %slice3A = vector.extract_strided_slice %scan3A_21#3 {offsets = [0, 0], sizes = [1, 128], strides = [1, 1]} : vector<4x128xf32> to vector<1x128xf32>
    %squeeze3A = vector.shape_cast %slice3A : vector<1x128xf32> to vector<128xf32>
    %reshape3A = vector.shape_cast %squeeze3A : vector<128xf32> to vector<128x1xf32>
    %slice3A_44 = vector.extract_strided_slice %scan3A_21#4 {offsets = [0, 0], sizes = [1, 128], strides = [1, 1]} : vector<4x128xf32> to vector<1x128xf32>
    %squeeze3A_45 = vector.shape_cast %slice3A_44 : vector<1x128xf32> to vector<128xf32>
    %reshape3A_46 = vector.shape_cast %squeeze3A_45 : vector<128xf32> to vector<128x1xf32>
    %slice3A_47 = vector.extract_strided_slice %scan3A_21#5 {offsets = [0, 0], sizes = [1, 128], strides = [1, 1]} : vector<4x128xf32> to vector<1x128xf32>
    %squeeze3A_48 = vector.shape_cast %slice3A_47 : vector<1x128xf32> to vector<128xf32>
    %reshape3A_49 = vector.shape_cast %squeeze3A_48 : vector<128xf32> to vector<128x1xf32>
    %get3A_50 = arith.constant 0 : index
    %get3A_51 = arith.constant 0 : index
    %get3A_52 = arith.constant 0 : index
    %get3A_53 = vector.load %arg1[%get3A_50, %get3A_51, %get3A_52] : memref<3x4x4096xf32, #tpu.memory_space<vmem>>, vector<1x1x4096xf32>
    %get3A_54 = vector.shape_cast %get3A_53 : vector<1x1x4096xf32> to vector<4096xf32>
    %reshape3A_55 = vector.shape_cast %get3A_54 : vector<4096xf32> to vector<1x4096xf32>
    %get3A_56 = arith.constant 1 : index
    %get3A_57 = arith.constant 0 : index
    %get3A_58 = arith.constant 0 : index
    %get3A_59 = vector.load %arg1[%get3A_56, %get3A_57, %get3A_58] : memref<3x4x4096xf32, #tpu.memory_space<vmem>>, vector<1x1x4096xf32>
    %get3A_60 = vector.shape_cast %get3A_59 : vector<1x1x4096xf32> to vector<4096xf32>
    %reshape3A_61 = vector.shape_cast %get3A_60 : vector<4096xf32> to vector<1x4096xf32>
    %get3A_62 = arith.constant 2 : index
    %get3A_63 = arith.constant 0 : index
    %get3A_64 = arith.constant 0 : index
    %get3A_65 = vector.load %arg1[%get3A_62, %get3A_63, %get3A_64] : memref<3x4x4096xf32, #tpu.memory_space<vmem>>, vector<1x1x4096xf32>
    %get3A_66 = vector.shape_cast %get3A_65 : vector<1x1x4096xf32> to vector<4096xf32>
    %reshape3A_67 = vector.shape_cast %get3A_66 : vector<4096xf32> to vector<1x4096xf32>
    %sub3A = vector.broadcast %reshape3A : vector<128x1xf32> to vector<128x4096xf32>
    %sub3A_68 = vector.broadcast %reshape3A_55 : vector<1x4096xf32> to vector<128x4096xf32>
    %sub3A_69 = arith.subf %sub3A, %sub3A_68 : vector<128x4096xf32>
    %mul3A_70 = arith.mulf %sub3A_69, %sub3A_69 : vector<128x4096xf32>
    %sub3A_71 = vector.broadcast %reshape3A_46 : vector<128x1xf32> to vector<128x4096xf32>
    %sub3A_72 = vector.broadcast %reshape3A_61 : vector<1x4096xf32> to vector<128x4096xf32>
    %sub3A_73 = arith.subf %sub3A_71, %sub3A_72 : vector<128x4096xf32>
    %mul3A_74 = arith.mulf %sub3A_73, %sub3A_73 : vector<128x4096xf32>
    %add3A_75 = arith.addf %mul3A_70, %mul3A_74 : vector<128x4096xf32>
    %sub3A_76 = vector.broadcast %reshape3A_49 : vector<128x1xf32> to vector<128x4096xf32>
    %sub3A_77 = vector.broadcast %reshape3A_67 : vector<1x4096xf32> to vector<128x4096xf32>
    %sub3A_78 = arith.subf %sub3A_76, %sub3A_77 : vector<128x4096xf32>
    %mul3A_79 = arith.mulf %sub3A_78, %sub3A_78 : vector<128x4096xf32>
    %add3A_80 = arith.addf %add3A_75, %mul3A_79 : vector<128x4096xf32>
    %max3A = arith.constant 0.000000e+00 : f32
    %max3A_81 = vector.broadcast %max3A : f32 to vector<128x4096xf32>
    %max3A_82 = arith.maximumf %add3A_80, %max3A_81 : vector<128x4096xf32>
    %sqrt3A = math.sqrt %max3A_82 : vector<128x4096xf32>
    %reduce_min3A = arith.constant dense<0x7F800000> : vector<128xf32>
    %reduce_min3A_83 = vector.multi_reduction <minimumf>, %sqrt3A, %reduce_min3A [1] : vector<128x4096xf32> to vector<128xf32>
    %broadcast_in_dim3A_84 = vector.shape_cast %reduce_min3A_83 : vector<128xf32> to vector<128x1xf32>
    %eq3A = vector.broadcast %broadcast_in_dim3A_84 : vector<128x1xf32> to vector<128x4096xf32>
    %eq3A_85 = arith.cmpf oeq, %sqrt3A, %eq3A : vector<128x4096xf32>
    %jit3A = arith.constant 4096 : i32
    %broadcast_in_dim3A_86 = vector.broadcast %jit3A : i32 to vector<128x4096xi32>
    %select_n3A = arith.select %eq3A_85, %iota3A_43, %broadcast_in_dim3A_86 : vector<128x4096xi1>, vector<128x4096xi32>
    %reduce_min3A_87 = arith.constant dense<2147483647> : vector<128xi32>
    %reduce_min3A_88 = vector.multi_reduction <minsi>, %select_n3A, %reduce_min3A_87 [1] : vector<128x4096xi32> to vector<128xi32>
    %broadcast_in_dim3A_89 = vector.shape_cast %reduce_min3A_88 : vector<128xi32> to vector<128x1xi32>
    %add3A_90 = arith.constant 0 : i32
    %add3A_91 = vector.broadcast %add3A_90 : i32 to vector<128x1xi32>
    %add3A_92 = arith.addi %broadcast_in_dim3A_89, %add3A_91 : vector<128x1xi32>
    %reshape3A_93 = vector.shape_cast %add3A_92 : vector<128x1xi32> to vector<128xi32>
    %swap3A_94 = arith.constant 0 : index
    %swap3A_95 = arith.constant 0 : index
    %swap3A_96 = vector.load %arg4[%swap3A_94, %swap3A_95] : memref<4x128xi32, #tpu.memory_space<vmem>>, vector<1x128xi32>
    %swap3A_97 = vector.shape_cast %swap3A_96 : vector<1x128xi32> to vector<128xi32>
    %swap3A_98 = vector.shape_cast %reshape3A_93 : vector<128xi32> to vector<1x128xi32>
    tpu.vector_store %arg4[%swap3A_94, %swap3A_95], %swap3A_98 {strides = array<i32>} : memref<4x128xi32, #tpu.memory_space<vmem>>, vector<1x128xi32>,
    %slice3A_99 = vector.extract_strided_slice %scan3A_21#3 {offsets = [1, 0], sizes = [1, 128], strides = [1, 1]} : vector<4x128xf32> to vector<1x128xf32>
    %squeeze3A_100 = vector.shape_cast %slice3A_99 : vector<1x128xf32> to vector<128xf32>
    %reshape3A_101 = vector.shape_cast %squeeze3A_100 : vector<128xf32> to vector<128x1xf32>
    %slice3A_102 = vector.extract_strided_slice %scan3A_21#4 {offsets = [1, 0], sizes = [1, 128], strides = [1, 1]} : vector<4x128xf32> to vector<1x128xf32>
    %squeeze3A_103 = vector.shape_cast %slice3A_102 : vector<1x128xf32> to vector<128xf32>
    %reshape3A_104 = vector.shape_cast %squeeze3A_103 : vector<128xf32> to vector<128x1xf32>
    %slice3A_105 = vector.extract_strided_slice %scan3A_21#5 {offsets = [1, 0], sizes = [1, 128], strides = [1, 1]} : vector<4x128xf32> to vector<1x128xf32>
    %squeeze3A_106 = vector.shape_cast %slice3A_105 : vector<1x128xf32> to vector<128xf32>
    %reshape3A_107 = vector.shape_cast %squeeze3A_106 : vector<128xf32> to vector<128x1xf32>
    %get3A_108 = arith.constant 0 : index
    %get3A_109 = arith.constant 1 : index
    %get3A_110 = arith.constant 0 : index
    %get3A_111 = vector.load %arg1[%get3A_108, %get3A_109, %get3A_110] : memref<3x4x4096xf32, #tpu.memory_space<vmem>>, vector<1x1x4096xf32>
    %get3A_112 = vector.shape_cast %get3A_111 : vector<1x1x4096xf32> to vector<4096xf32>
    %reshape3A_113 = vector.shape_cast %get3A_112 : vector<4096xf32> to vector<1x4096xf32>
    %get3A_114 = arith.constant 1 : index
    %get3A_115 = arith.constant 1 : index
    %get3A_116 = arith.constant 0 : index
    %get3A_117 = vector.load %arg1[%get3A_114, %get3A_115, %get3A_116] : memref<3x4x4096xf32, #tpu.memory_space<vmem>>, vector<1x1x4096xf32>
    %get3A_118 = vector.shape_cast %get3A_117 : vector<1x1x4096xf32> to vector<4096xf32>
    %reshape3A_119 = vector.shape_cast %get3A_118 : vector<4096xf32> to vector<1x4096xf32>
    %get3A_120 = arith.constant 2 : index
    %get3A_121 = arith.constant 1 : index
    %get3A_122 = arith.constant 0 : index
    %get3A_123 = vector.load %arg1[%get3A_120, %get3A_121, %get3A_122] : memref<3x4x4096xf32, #tpu.memory_space<vmem>>, vector<1x1x4096xf32>
    %get3A_124 = vector.shape_cast %get3A_123 : vector<1x1x4096xf32> to vector<4096xf32>
    %reshape3A_125 = vector.shape_cast %get3A_124 : vector<4096xf32> to vector<1x4096xf32>
    %sub3A_126 = vector.broadcast %reshape3A_101 : vector<128x1xf32> to vector<128x4096xf32>
    %sub3A_127 = vector.broadcast %reshape3A_113 : vector<1x4096xf32> to vector<128x4096xf32>
    %sub3A_128 = arith.subf %sub3A_126, %sub3A_127 : vector<128x4096xf32>
    %mul3A_129 = arith.mulf %sub3A_128, %sub3A_128 : vector<128x4096xf32>
    %sub3A_130 = vector.broadcast %reshape3A_104 : vector<128x1xf32> to vector<128x4096xf32>
    %sub3A_131 = vector.broadcast %reshape3A_119 : vector<1x4096xf32> to vector<128x4096xf32>
    %sub3A_132 = arith.subf %sub3A_130, %sub3A_131 : vector<128x4096xf32>
    %mul3A_133 = arith.mulf %sub3A_132, %sub3A_132 : vector<128x4096xf32>
    %add3A_134 = arith.addf %mul3A_129, %mul3A_133 : vector<128x4096xf32>
    %sub3A_135 = vector.broadcast %reshape3A_107 : vector<128x1xf32> to vector<128x4096xf32>
    %sub3A_136 = vector.broadcast %reshape3A_125 : vector<1x4096xf32> to vector<128x4096xf32>
    %sub3A_137 = arith.subf %sub3A_135, %sub3A_136 : vector<128x4096xf32>
    %mul3A_138 = arith.mulf %sub3A_137, %sub3A_137 : vector<128x4096xf32>
    %add3A_139 = arith.addf %add3A_134, %mul3A_138 : vector<128x4096xf32>
    %max3A_140 = arith.constant 0.000000e+00 : f32
    %max3A_141 = vector.broadcast %max3A_140 : f32 to vector<128x4096xf32>
    %max3A_142 = arith.maximumf %add3A_139, %max3A_141 : vector<128x4096xf32>
    %sqrt3A_143 = math.sqrt %max3A_142 : vector<128x4096xf32>
    %reduce_min3A_144 = arith.constant dense<0x7F800000> : vector<128xf32>
    %reduce_min3A_145 = vector.multi_reduction <minimumf>, %sqrt3A_143, %reduce_min3A_144 [1] : vector<128x4096xf32> to vector<128xf32>
    %broadcast_in_dim3A_146 = vector.shape_cast %reduce_min3A_145 : vector<128xf32> to vector<128x1xf32>
    %eq3A_147 = vector.broadcast %broadcast_in_dim3A_146 : vector<128x1xf32> to vector<128x4096xf32>
    %eq3A_148 = arith.cmpf oeq, %sqrt3A_143, %eq3A_147 : vector<128x4096xf32>
    %jit3A_149 = arith.constant 4096 : i32
    %broadcast_in_dim3A_150 = vector.broadcast %jit3A_149 : i32 to vector<128x4096xi32>
    %select_n3A_151 = arith.select %eq3A_148, %iota3A_43, %broadcast_in_dim3A_150 : vector<128x4096xi1>, vector<128x4096xi32>
    %reduce_min3A_152 = arith.constant dense<2147483647> : vector<128xi32>
    %reduce_min3A_153 = vector.multi_reduction <minsi>, %select_n3A_151, %reduce_min3A_152 [1] : vector<128x4096xi32> to vector<128xi32>
    %broadcast_in_dim3A_154 = vector.shape_cast %reduce_min3A_153 : vector<128xi32> to vector<128x1xi32>
    %add3A_155 = arith.constant 4096 : i32
    %add3A_156 = vector.broadcast %add3A_155 : i32 to vector<128x1xi32>
    %add3A_157 = arith.addi %broadcast_in_dim3A_154, %add3A_156 : vector<128x1xi32>
    %reshape3A_158 = vector.shape_cast %add3A_157 : vector<128x1xi32> to vector<128xi32>
    %swap3A_159 = arith.constant 1 : index
    %swap3A_160 = arith.constant 0 : index
    %swap3A_161 = vector.load %arg4[%swap3A_159, %swap3A_160] : memref<4x128xi32, #tpu.memory_space<vmem>>, vector<1x128xi32>
    %swap3A_162 = vector.shape_cast %swap3A_161 : vector<1x128xi32> to vector<128xi32>
    %swap3A_163 = vector.shape_cast %reshape3A_158 : vector<128xi32> to vector<1x128xi32>
    tpu.vector_store %arg4[%swap3A_159, %swap3A_160], %swap3A_163 {strides = array<i32>} : memref<4x128xi32, #tpu.memory_space<vmem>>, vector<1x128xi32>,
    %slice3A_164 = vector.extract_strided_slice %scan3A_21#3 {offsets = [2, 0], sizes = [1, 128], strides = [1, 1]} : vector<4x128xf32> to vector<1x128xf32>
    %squeeze3A_165 = vector.shape_cast %slice3A_164 : vector<1x128xf32> to vector<128xf32>
    %reshape3A_166 = vector.shape_cast %squeeze3A_165 : vector<128xf32> to vector<128x1xf32>
    %slice3A_167 = vector.extract_strided_slice %scan3A_21#4 {offsets = [2, 0], sizes = [1, 128], strides = [1, 1]} : vector<4x128xf32> to vector<1x128xf32>
    %squeeze3A_168 = vector.shape_cast %slice3A_167 : vector<1x128xf32> to vector<128xf32>
    %reshape3A_169 = vector.shape_cast %squeeze3A_168 : vector<128xf32> to vector<128x1xf32>
    %slice3A_170 = vector.extract_strided_slice %scan3A_21#5 {offsets = [2, 0], sizes = [1, 128], strides = [1, 1]} : vector<4x128xf32> to vector<1x128xf32>
    %squeeze3A_171 = vector.shape_cast %slice3A_170 : vector<1x128xf32> to vector<128xf32>
    %reshape3A_172 = vector.shape_cast %squeeze3A_171 : vector<128xf32> to vector<128x1xf32>
    %get3A_173 = arith.constant 0 : index
    %get3A_174 = arith.constant 2 : index
    %get3A_175 = arith.constant 0 : index
    %get3A_176 = vector.load %arg1[%get3A_173, %get3A_174, %get3A_175] : memref<3x4x4096xf32, #tpu.memory_space<vmem>>, vector<1x1x4096xf32>
    %get3A_177 = vector.shape_cast %get3A_176 : vector<1x1x4096xf32> to vector<4096xf32>
    %reshape3A_178 = vector.shape_cast %get3A_177 : vector<4096xf32> to vector<1x4096xf32>
    %get3A_179 = arith.constant 1 : index
    %get3A_180 = arith.constant 2 : index
    %get3A_181 = arith.constant 0 : index
    %get3A_182 = vector.load %arg1[%get3A_179, %get3A_180, %get3A_181] : memref<3x4x4096xf32, #tpu.memory_space<vmem>>, vector<1x1x4096xf32>
    %get3A_183 = vector.shape_cast %get3A_182 : vector<1x1x4096xf32> to vector<4096xf32>
    %reshape3A_184 = vector.shape_cast %get3A_183 : vector<4096xf32> to vector<1x4096xf32>
    %get3A_185 = arith.constant 2 : index
    %get3A_186 = arith.constant 2 : index
    %get3A_187 = arith.constant 0 : index
    %get3A_188 = vector.load %arg1[%get3A_185, %get3A_186, %get3A_187] : memref<3x4x4096xf32, #tpu.memory_space<vmem>>, vector<1x1x4096xf32>
    %get3A_189 = vector.shape_cast %get3A_188 : vector<1x1x4096xf32> to vector<4096xf32>
    %reshape3A_190 = vector.shape_cast %get3A_189 : vector<4096xf32> to vector<1x4096xf32>
    %sub3A_191 = vector.broadcast %reshape3A_166 : vector<128x1xf32> to vector<128x4096xf32>
    %sub3A_192 = vector.broadcast %reshape3A_178 : vector<1x4096xf32> to vector<128x4096xf32>
    %sub3A_193 = arith.subf %sub3A_191, %sub3A_192 : vector<128x4096xf32>
    %mul3A_194 = arith.mulf %sub3A_193, %sub3A_193 : vector<128x4096xf32>
    %sub3A_195 = vector.broadcast %reshape3A_169 : vector<128x1xf32> to vector<128x4096xf32>
    %sub3A_196 = vector.broadcast %reshape3A_184 : vector<1x4096xf32> to vector<128x4096xf32>
    %sub3A_197 = arith.subf %sub3A_195, %sub3A_196 : vector<128x4096xf32>
    %mul3A_198 = arith.mulf %sub3A_197, %sub3A_197 : vector<128x4096xf32>
    %add3A_199 = arith.addf %mul3A_194, %mul3A_198 : vector<128x4096xf32>
    %sub3A_200 = vector.broadcast %reshape3A_172 : vector<128x1xf32> to vector<128x4096xf32>
    %sub3A_201 = vector.broadcast %reshape3A_190 : vector<1x4096xf32> to vector<128x4096xf32>
    %sub3A_202 = arith.subf %sub3A_200, %sub3A_201 : vector<128x4096xf32>
    %mul3A_203 = arith.mulf %sub3A_202, %sub3A_202 : vector<128x4096xf32>
    %add3A_204 = arith.addf %add3A_199, %mul3A_203 : vector<128x4096xf32>
    %max3A_205 = arith.constant 0.000000e+00 : f32
    %max3A_206 = vector.broadcast %max3A_205 : f32 to vector<128x4096xf32>
    %max3A_207 = arith.maximumf %add3A_204, %max3A_206 : vector<128x4096xf32>
    %sqrt3A_208 = math.sqrt %max3A_207 : vector<128x4096xf32>
    %reduce_min3A_209 = arith.constant dense<0x7F800000> : vector<128xf32>
    %reduce_min3A_210 = vector.multi_reduction <minimumf>, %sqrt3A_208, %reduce_min3A_209 [1] : vector<128x4096xf32> to vector<128xf32>
    %broadcast_in_dim3A_211 = vector.shape_cast %reduce_min3A_210 : vector<128xf32> to vector<128x1xf32>
    %eq3A_212 = vector.broadcast %broadcast_in_dim3A_211 : vector<128x1xf32> to vector<128x4096xf32>
    %eq3A_213 = arith.cmpf oeq, %sqrt3A_208, %eq3A_212 : vector<128x4096xf32>
    %jit3A_214 = arith.constant 4096 : i32
    %broadcast_in_dim3A_215 = vector.broadcast %jit3A_214 : i32 to vector<128x4096xi32>
    %select_n3A_216 = arith.select %eq3A_213, %iota3A_43, %broadcast_in_dim3A_215 : vector<128x4096xi1>, vector<128x4096xi32>
    %reduce_min3A_217 = arith.constant dense<2147483647> : vector<128xi32>
    %reduce_min3A_218 = vector.multi_reduction <minsi>, %select_n3A_216, %reduce_min3A_217 [1] : vector<128x4096xi32> to vector<128xi32>
    %broadcast_in_dim3A_219 = vector.shape_cast %reduce_min3A_218 : vector<128xi32> to vector<128x1xi32>
    %add3A_220 = arith.constant 8192 : i32
    %add3A_221 = vector.broadcast %add3A_220 : i32 to vector<128x1xi32>
    %add3A_222 = arith.addi %broadcast_in_dim3A_219, %add3A_221 : vector<128x1xi32>
    %reshape3A_223 = vector.shape_cast %add3A_222 : vector<128x1xi32> to vector<128xi32>
    %swap3A_224 = arith.constant 2 : index
    %swap3A_225 = arith.constant 0 : index
    %swap3A_226 = vector.load %arg4[%swap3A_224, %swap3A_225] : memref<4x128xi32, #tpu.memory_space<vmem>>, vector<1x128xi32>
    %swap3A_227 = vector.shape_cast %swap3A_226 : vector<1x128xi32> to vector<128xi32>
    %swap3A_228 = vector.shape_cast %reshape3A_223 : vector<128xi32> to vector<1x128xi32>
    tpu.vector_store %arg4[%swap3A_224, %swap3A_225], %swap3A_228 {strides = array<i32>} : memref<4x128xi32, #tpu.memory_space<vmem>>, vector<1x128xi32>,
    %slice3A_229 = vector.extract_strided_slice %scan3A_21#3 {offsets = [3, 0], sizes = [1, 128], strides = [1, 1]} : vector<4x128xf32> to vector<1x128xf32>
    %squeeze3A_230 = vector.shape_cast %slice3A_229 : vector<1x128xf32> to vector<128xf32>
    %reshape3A_231 = vector.shape_cast %squeeze3A_230 : vector<128xf32> to vector<128x1xf32>
    %slice3A_232 = vector.extract_strided_slice %scan3A_21#4 {offsets = [3, 0], sizes = [1, 128], strides = [1, 1]} : vector<4x128xf32> to vector<1x128xf32>
    %squeeze3A_233 = vector.shape_cast %slice3A_232 : vector<1x128xf32> to vector<128xf32>
    %reshape3A_234 = vector.shape_cast %squeeze3A_233 : vector<128xf32> to vector<128x1xf32>
    %slice3A_235 = vector.extract_strided_slice %scan3A_21#5 {offsets = [3, 0], sizes = [1, 128], strides = [1, 1]} : vector<4x128xf32> to vector<1x128xf32>
    %squeeze3A_236 = vector.shape_cast %slice3A_235 : vector<1x128xf32> to vector<128xf32>
    %reshape3A_237 = vector.shape_cast %squeeze3A_236 : vector<128xf32> to vector<128x1xf32>
    %get3A_238 = arith.constant 0 : index
    %get3A_239 = arith.constant 3 : index
    %get3A_240 = arith.constant 0 : index
    %get3A_241 = vector.load %arg1[%get3A_238, %get3A_239, %get3A_240] : memref<3x4x4096xf32, #tpu.memory_space<vmem>>, vector<1x1x4096xf32>
    %get3A_242 = vector.shape_cast %get3A_241 : vector<1x1x4096xf32> to vector<4096xf32>
    %reshape3A_243 = vector.shape_cast %get3A_242 : vector<4096xf32> to vector<1x4096xf32>
    %get3A_244 = arith.constant 1 : index
    %get3A_245 = arith.constant 3 : index
    %get3A_246 = arith.constant 0 : index
    %get3A_247 = vector.load %arg1[%get3A_244, %get3A_245, %get3A_246] : memref<3x4x4096xf32, #tpu.memory_space<vmem>>, vector<1x1x4096xf32>
    %get3A_248 = vector.shape_cast %get3A_247 : vector<1x1x4096xf32> to vector<4096xf32>
    %reshape3A_249 = vector.shape_cast %get3A_248 : vector<4096xf32> to vector<1x4096xf32>
    %get3A_250 = arith.constant 2 : index
    %get3A_251 = arith.constant 3 : index
    %get3A_252 = arith.constant 0 : index
    %get3A_253 = vector.load %arg1[%get3A_250, %get3A_251, %get3A_252] : memref<3x4x4096xf32, #tpu.memory_space<vmem>>, vector<1x1x4096xf32>
    %get3A_254 = vector.shape_cast %get3A_253 : vector<1x1x4096xf32> to vector<4096xf32>
    %reshape3A_255 = vector.shape_cast %get3A_254 : vector<4096xf32> to vector<1x4096xf32>
    %sub3A_256 = vector.broadcast %reshape3A_231 : vector<128x1xf32> to vector<128x4096xf32>
    %sub3A_257 = vector.broadcast %reshape3A_243 : vector<1x4096xf32> to vector<128x4096xf32>
    %sub3A_258 = arith.subf %sub3A_256, %sub3A_257 : vector<128x4096xf32>
    %mul3A_259 = arith.mulf %sub3A_258, %sub3A_258 : vector<128x4096xf32>
    %sub3A_260 = vector.broadcast %reshape3A_234 : vector<128x1xf32> to vector<128x4096xf32>
    %sub3A_261 = vector.broadcast %reshape3A_249 : vector<1x4096xf32> to vector<128x4096xf32>
    %sub3A_262 = arith.subf %sub3A_260, %sub3A_261 : vector<128x4096xf32>
    %mul3A_263 = arith.mulf %sub3A_262, %sub3A_262 : vector<128x4096xf32>
    %add3A_264 = arith.addf %mul3A_259, %mul3A_263 : vector<128x4096xf32>
    %sub3A_265 = vector.broadcast %reshape3A_237 : vector<128x1xf32> to vector<128x4096xf32>
    %sub3A_266 = vector.broadcast %reshape3A_255 : vector<1x4096xf32> to vector<128x4096xf32>
    %sub3A_267 = arith.subf %sub3A_265, %sub3A_266 : vector<128x4096xf32>
    %mul3A_268 = arith.mulf %sub3A_267, %sub3A_267 : vector<128x4096xf32>
    %add3A_269 = arith.addf %add3A_264, %mul3A_268 : vector<128x4096xf32>
    %max3A_270 = arith.constant 0.000000e+00 : f32
    %max3A_271 = vector.broadcast %max3A_270 : f32 to vector<128x4096xf32>
    %max3A_272 = arith.maximumf %add3A_269, %max3A_271 : vector<128x4096xf32>
    %sqrt3A_273 = math.sqrt %max3A_272 : vector<128x4096xf32>
    %reduce_min3A_274 = arith.constant dense<0x7F800000> : vector<128xf32>
    %reduce_min3A_275 = vector.multi_reduction <minimumf>, %sqrt3A_273, %reduce_min3A_274 [1] : vector<128x4096xf32> to vector<128xf32>
    %broadcast_in_dim3A_276 = vector.shape_cast %reduce_min3A_275 : vector<128xf32> to vector<128x1xf32>
    %eq3A_277 = vector.broadcast %broadcast_in_dim3A_276 : vector<128x1xf32> to vector<128x4096xf32>
    %eq3A_278 = arith.cmpf oeq, %sqrt3A_273, %eq3A_277 : vector<128x4096xf32>
    %jit3A_279 = arith.constant 4096 : i32
    %broadcast_in_dim3A_280 = vector.broadcast %jit3A_279 : i32 to vector<128x4096xi32>
    %select_n3A_281 = arith.select %eq3A_278, %iota3A_43, %broadcast_in_dim3A_280 : vector<128x4096xi1>, vector<128x4096xi32>
    %reduce_min3A_282 = arith.constant dense<2147483647> : vector<128xi32>
    %reduce_min3A_283 = vector.multi_reduction <minsi>, %select_n3A_281, %reduce_min3A_282 [1] : vector<128x4096xi32> to vector<128xi32>
    %broadcast_in_dim3A_284 = vector.shape_cast %reduce_min3A_283 : vector<128xi32> to vector<128x1xi32>
    %add3A_285 = arith.constant 12288 : i32
    %add3A_286 = vector.broadcast %add3A_285 : i32 to vector<128x1xi32>
    %add3A_287 = arith.addi %broadcast_in_dim3A_284, %add3A_286 : vector<128x1xi32>
    %reshape3A_288 = vector.shape_cast %add3A_287 : vector<128x1xi32> to vector<128xi32>
    %swap3A_289 = arith.constant 3 : index
    %swap3A_290 = arith.constant 0 : index
    %swap3A_291 = vector.load %arg4[%swap3A_289, %swap3A_290] : memref<4x128xi32, #tpu.memory_space<vmem>>, vector<1x128xi32>
    %swap3A_292 = vector.shape_cast %swap3A_291 : vector<1x128xi32> to vector<128xi32>
    %swap3A_293 = vector.shape_cast %reshape3A_288 : vector<128xi32> to vector<1x128xi32>
    tpu.vector_store %arg4[%swap3A_289, %swap3A_290], %swap3A_293 {strides = array<i32>} : memref<4x128xi32, #tpu.memory_space<vmem>>, vector<1x128xi32>,
    return
  }
}

module attributes {stable_mosaic.version = 14 : i64} {
  func.func @_mlp_rbf_kernel(%arg0: i32, %arg1: memref<512x1024xf32, #tpu.memory_space<vmem>>, %arg2: memref<512x1024xf32, #tpu.memory_space<vmem>>, %arg3: memref<512x2048xf32, #tpu.memory_space<vmem>>, %arg4: memref<512xf32, #tpu.memory_space<vmem>>, %arg5: memref<512xf32, #tpu.memory_space<vmem>>, %arg6: memref<512xf32, #tpu.memory_space<vmem>>, %arg7: memref<512x512xf32, #tpu.memory_space<vmem>>, %arg8: memref<512xf32, #tpu.memory_space<vmem>>, %arg9: memref<512xf32, #tpu.memory_space<vmem>>, %arg10: memref<512xf32, #tpu.memory_space<vmem>>, %arg11: memref<3x512xf32, #tpu.memory_space<vmem>>, %arg12: memref<3xf32, #tpu.memory_space<vmem>>, %arg13: memref<1x4096x3xf32, #tpu.memory_space<vmem>>, %arg14: memref<3x512xf32, #tpu.memory_space<vmem>>, %arg15: memref<1x4096x3xf32, #tpu.memory_space<vmem>>, %arg16: memref<1x4096x3xf32, #tpu.memory_space<vmem>>, %arg17: memref<1x128x3xf32, #tpu.memory_space<vmem>>, %arg18: memref<512x3xf32, #tpu.memory_space<vmem>>) attributes {dimension_semantics = [#tpu.dimension_semantics<arbitrary>], iteration_bounds = array<i64: 4>, scalar_prefetch = 0 : i64, scratch_operands = 1 : i64, tpu.core_type = #tpu.core_type<tc>, window_params = [{pipeline_mode = #tpu.pipeline_mode<synchronous>, transform_indices = @transform_0, window_bounds = array<i64: 512, 1024>}, {pipeline_mode = #tpu.pipeline_mode<synchronous>, transform_indices = @transform_1, window_bounds = array<i64: 512, 1024>}, {pipeline_mode = #tpu.pipeline_mode<synchronous>, transform_indices = @transform_2, window_bounds = array<i64: 512, 2048>}, {pipeline_mode = #tpu.pipeline_mode<synchronous>, transform_indices = @transform_3, window_bounds = array<i64: 512>}, {pipeline_mode = #tpu.pipeline_mode<synchronous>, transform_indices = @transform_4, window_bounds = array<i64: 512>}, {pipeline_mode = #tpu.pipeline_mode<synchronous>, transform_indices = @transform_5, window_bounds = array<i64: 512>}, {pipeline_mode = #tpu.pipeline_mode<synchronous>, transform_indices = @transform_6, window_bounds = array<i64: 512, 512>}, {pipeline_mode = #tpu.pipeline_mode<synchronous>, transform_indices = @transform_7, window_bounds = array<i64: 512>}, {pipeline_mode = #tpu.pipeline_mode<synchronous>, transform_indices = @transform_8, window_bounds = array<i64: 512>}, {pipeline_mode = #tpu.pipeline_mode<synchronous>, transform_indices = @transform_9, window_bounds = array<i64: 512>}, {pipeline_mode = #tpu.pipeline_mode<synchronous>, transform_indices = @transform_10, window_bounds = array<i64: 3, 512>}, {pipeline_mode = #tpu.pipeline_mode<synchronous>, transform_indices = @transform_11, window_bounds = array<i64: 3>}, {transform_indices = @transform_12, window_bounds = array<i64: 1, 4096, 3>}, {pipeline_mode = #tpu.pipeline_mode<synchronous>, transform_indices = @transform_13, window_bounds = array<i64: 3, 512>}, {transform_indices = @transform_14, window_bounds = array<i64: 1, 4096, 3>}, {transform_indices = @transform_15, window_bounds = array<i64: 1, 4096, 3>}, {transform_indices = @transform_16, window_bounds = array<i64: 1, 128, 3>}]} {
    %eq3A = arith.constant 0 : i32
    %eq3A_0 = arith.cmpi eq, %arg0, %eq3A : i32
    %convert_element_type3A = arith.extui %eq3A_0 : i1 to i32
    %cond3A = arith.constant 0 : i32
    %cond3A_1 = arith.cmpi ne, %convert_element_type3A, %cond3A : i32
    scf.if %cond3A_1 {
      %get3A_69 = arith.constant 0 : index
      %get3A_70 = arith.constant 0 : index
      %get3A_71 = vector.load %arg1[%get3A_69, %get3A_70] : memref<512x1024xf32, #tpu.memory_space<vmem>>, vector<512x1024xf32>
      %get3A_72 = arith.constant 0 : index
      %get3A_73 = arith.constant 0 : index
      %get3A_74 = vector.load %arg2[%get3A_72, %get3A_73] : memref<512x1024xf32, #tpu.memory_space<vmem>>, vector<512x1024xf32>
      %get3A_75 = arith.constant 0 : index
      %get3A_76 = arith.constant 0 : index
      %get3A_77 = vector.load %arg3[%get3A_75, %get3A_76] : memref<512x2048xf32, #tpu.memory_space<vmem>>, vector<512x2048xf32>
      %slice3A_78 = vector.extract_strided_slice %get3A_77 {offsets = [0, 0], sizes = [512, 1024], strides = [1, 1]} : vector<512x2048xf32> to vector<512x1024xf32>
      %dot_general3A_79 = arith.constant dense<0.000000e+00> : vector<512x512xf32>
      %dot_general3A_80 = tpu.matmul %get3A_71, %slice3A_78, %dot_general3A_79 {dimension_numbers = #tpu.dot_dimension_numbers<[1], [1], [0], [0], [0, 0, 1, 0], [], []>, transpose_lhs_hint = false} : vector<512x1024xf32>, vector<512x1024xf32>, vector<512x512xf32> -> vector<512x512xf32>
      %slice3A_81 = vector.extract_strided_slice %get3A_77 {offsets = [0, 1024], sizes = [512, 1024], strides = [1, 1]} : vector<512x2048xf32> to vector<512x1024xf32>
      %dot_general3A_82 = arith.constant dense<0.000000e+00> : vector<512x512xf32>
      %dot_general3A_83 = tpu.matmul %get3A_74, %slice3A_81, %dot_general3A_82 {dimension_numbers = #tpu.dot_dimension_numbers<[1], [1], [0], [0], [0, 0, 1, 0], [], []>, transpose_lhs_hint = false} : vector<512x1024xf32>, vector<512x1024xf32>, vector<512x512xf32> -> vector<512x512xf32>
      %add3A_84 = arith.addf %dot_general3A_80, %dot_general3A_83 : vector<512x512xf32>
      %get3A_85 = arith.constant 0 : index
      %get3A_86 = vector.load %arg4[%get3A_85] : memref<512xf32, #tpu.memory_space<vmem>>, vector<512xf32>
      %broadcast_in_dim3A_87 = vector.shape_cast %get3A_86 : vector<512xf32> to vector<1x512xf32>
      %add3A_88 = vector.broadcast %broadcast_in_dim3A_87 : vector<1x512xf32> to vector<512x512xf32>
      %add3A_89 = arith.addf %add3A_84, %add3A_88 : vector<512x512xf32>
      %get3A_90 = arith.constant 0 : index
      %get3A_91 = vector.load %arg5[%get3A_90] : memref<512xf32, #tpu.memory_space<vmem>>, vector<512xf32>
      %get3A_92 = arith.constant 0 : index
      %get3A_93 = vector.load %arg6[%get3A_92] : memref<512xf32, #tpu.memory_space<vmem>>, vector<512xf32>
      %reduce_sum3A_94 = arith.constant dense<0.000000e+00> : vector<512xf32>
      %reduce_sum3A_95 = vector.multi_reduction <add>, %add3A_89, %reduce_sum3A_94 [0] : vector<512x512xf32> to vector<512xf32>
      %div3A_96 = arith.constant 5.120000e+02 : f32
      %div3A_97 = vector.broadcast %div3A_96 : f32 to vector<512xf32>
      %div3A_98 = arith.divf %reduce_sum3A_95, %div3A_97 : vector<512xf32>
      %jit3A = arith.constant 0 : i32
      %reduce_sum3A_99 = arith.constant dense<0.000000e+00> : vector<512xf32>
      %reduce_sum3A_100 = vector.multi_reduction <add>, %add3A_89, %reduce_sum3A_99 [0] : vector<512x512xf32> to vector<512xf32>
      %broadcast_in_dim3A_101 = vector.shape_cast %reduce_sum3A_100 : vector<512xf32> to vector<1x512xf32>
      %div3A_102 = arith.constant 5.120000e+02 : f32
      %div3A_103 = vector.broadcast %div3A_102 : f32 to vector<1x512xf32>
      %div3A_104 = arith.divf %broadcast_in_dim3A_101, %div3A_103 : vector<1x512xf32>
      %sub3A_105 = vector.broadcast %div3A_104 : vector<1x512xf32> to vector<512x512xf32>
      %sub3A_106 = arith.subf %add3A_89, %sub3A_105 : vector<512x512xf32>
      %square3A = arith.mulf %sub3A_106, %sub3A_106 : vector<512x512xf32>
      %convert_element_type3A_107 = arith.sitofp %jit3A : i32 to f32
      %sub3A_108 = arith.constant 5.120000e+02 : f32
      %sub3A_109 = arith.subf %sub3A_108, %convert_element_type3A_107 : f32
      %reduce_sum3A_110 = arith.constant dense<0.000000e+00> : vector<512xf32>
      %reduce_sum3A_111 = vector.multi_reduction <add>, %square3A, %reduce_sum3A_110 [0] : vector<512x512xf32> to vector<512xf32>
      %div3A_112 = vector.broadcast %sub3A_109 : f32 to vector<512xf32>
      %div3A_113 = arith.divf %reduce_sum3A_111, %div3A_112 : vector<512xf32>
      %gt3A = arith.constant 0.000000e+00 : f32
      %gt3A_114 = arith.cmpf ogt, %sub3A_109, %gt3A : f32
      %jit3A_115 = arith.constant 0x7FC00000 : f32
      %broadcast_in_dim3A_116 = vector.broadcast %jit3A_115 : f32 to vector<512xf32>
      %select_n3A = arith.select %gt3A_114, %div3A_113, %broadcast_in_dim3A_116 : vector<512xf32>
      %broadcast_in_dim3A_117 = vector.shape_cast %div3A_98 : vector<512xf32> to vector<1x512xf32>
      %sub3A_118 = vector.broadcast %broadcast_in_dim3A_117 : vector<1x512xf32> to vector<512x512xf32>
      %sub3A_119 = arith.subf %add3A_89, %sub3A_118 : vector<512x512xf32>
      %add3A_120 = arith.constant 9.99999974E-6 : f32
      %add3A_121 = vector.broadcast %add3A_120 : f32 to vector<512xf32>
      %add3A_122 = arith.addf %select_n3A, %add3A_121 : vector<512xf32>
      %sqrt3A = math.sqrt %add3A_122 : vector<512xf32>
      %broadcast_in_dim3A_123 = vector.shape_cast %sqrt3A : vector<512xf32> to vector<1x512xf32>
      %div3A_124 = vector.broadcast %broadcast_in_dim3A_123 : vector<1x512xf32> to vector<512x512xf32>
      %div3A_125 = arith.divf %sub3A_119, %div3A_124 : vector<512x512xf32>
      %broadcast_in_dim3A_126 = vector.shape_cast %get3A_91 : vector<512xf32> to vector<1x512xf32>
      %mul3A_127 = vector.broadcast %broadcast_in_dim3A_126 : vector<1x512xf32> to vector<512x512xf32>
      %mul3A_128 = arith.mulf %div3A_125, %mul3A_127 : vector<512x512xf32>
      %broadcast_in_dim3A_129 = vector.shape_cast %get3A_93 : vector<512xf32> to vector<1x512xf32>
      %add3A_130 = vector.broadcast %broadcast_in_dim3A_129 : vector<1x512xf32> to vector<512x512xf32>
      %add3A_131 = arith.addf %mul3A_128, %add3A_130 : vector<512x512xf32>
      %max3A = arith.constant 0.000000e+00 : f32
      %max3A_132 = vector.broadcast %max3A : f32 to vector<512x512xf32>
      %max3A_133 = arith.maximumf %add3A_131, %max3A_132 : vector<512x512xf32>
      %get3A_134 = arith.constant 0 : index
      %get3A_135 = arith.constant 0 : index
      %get3A_136 = vector.load %arg7[%get3A_134, %get3A_135] : memref<512x512xf32, #tpu.memory_space<vmem>>, vector<512x512xf32>
      %dot_general3A_137 = arith.constant dense<0.000000e+00> : vector<512x512xf32>
      %dot_general3A_138 = tpu.matmul %max3A_133, %get3A_136, %dot_general3A_137 {dimension_numbers = #tpu.dot_dimension_numbers<[1], [1], [0], [0], [0, 0, 1, 0], [], []>, transpose_lhs_hint = false} : vector<512x512xf32>, vector<512x512xf32>, vector<512x512xf32> -> vector<512x512xf32>
      %get3A_139 = arith.constant 0 : index
      %get3A_140 = vector.load %arg8[%get3A_139] : memref<512xf32, #tpu.memory_space<vmem>>, vector<512xf32>
      %broadcast_in_dim3A_141 = vector.shape_cast %get3A_140 : vector<512xf32> to vector<1x512xf32>
      %add3A_142 = vector.broadcast %broadcast_in_dim3A_141 : vector<1x512xf32> to vector<512x512xf32>
      %add3A_143 = arith.addf %dot_general3A_138, %add3A_142 : vector<512x512xf32>
      %get3A_144 = arith.constant 0 : index
      %get3A_145 = vector.load %arg9[%get3A_144] : memref<512xf32, #tpu.memory_space<vmem>>, vector<512xf32>
      %get3A_146 = arith.constant 0 : index
      %get3A_147 = vector.load %arg10[%get3A_146] : memref<512xf32, #tpu.memory_space<vmem>>, vector<512xf32>
      %reduce_sum3A_148 = arith.constant dense<0.000000e+00> : vector<512xf32>
      %reduce_sum3A_149 = vector.multi_reduction <add>, %add3A_143, %reduce_sum3A_148 [0] : vector<512x512xf32> to vector<512xf32>
      %div3A_150 = arith.constant 5.120000e+02 : f32
      %div3A_151 = vector.broadcast %div3A_150 : f32 to vector<512xf32>
      %div3A_152 = arith.divf %reduce_sum3A_149, %div3A_151 : vector<512xf32>
      %jit3A_153 = arith.constant 0 : i32
      %reduce_sum3A_154 = arith.constant dense<0.000000e+00> : vector<512xf32>
      %reduce_sum3A_155 = vector.multi_reduction <add>, %add3A_143, %reduce_sum3A_154 [0] : vector<512x512xf32> to vector<512xf32>
      %broadcast_in_dim3A_156 = vector.shape_cast %reduce_sum3A_155 : vector<512xf32> to vector<1x512xf32>
      %div3A_157 = arith.constant 5.120000e+02 : f32
      %div3A_158 = vector.broadcast %div3A_157 : f32 to vector<1x512xf32>
      %div3A_159 = arith.divf %broadcast_in_dim3A_156, %div3A_158 : vector<1x512xf32>
      %sub3A_160 = vector.broadcast %div3A_159 : vector<1x512xf32> to vector<512x512xf32>
      %sub3A_161 = arith.subf %add3A_143, %sub3A_160 : vector<512x512xf32>
      %square3A_162 = arith.mulf %sub3A_161, %sub3A_161 : vector<512x512xf32>
      %convert_element_type3A_163 = arith.sitofp %jit3A_153 : i32 to f32
      %sub3A_164 = arith.constant 5.120000e+02 : f32
      %sub3A_165 = arith.subf %sub3A_164, %convert_element_type3A_163 : f32
      %reduce_sum3A_166 = arith.constant dense<0.000000e+00> : vector<512xf32>
      %reduce_sum3A_167 = vector.multi_reduction <add>, %square3A_162, %reduce_sum3A_166 [0] : vector<512x512xf32> to vector<512xf32>
      %div3A_168 = vector.broadcast %sub3A_165 : f32 to vector<512xf32>
      %div3A_169 = arith.divf %reduce_sum3A_167, %div3A_168 : vector<512xf32>
      %gt3A_170 = arith.constant 0.000000e+00 : f32
      %gt3A_171 = arith.cmpf ogt, %sub3A_165, %gt3A_170 : f32
      %jit3A_172 = arith.constant 0x7FC00000 : f32
      %broadcast_in_dim3A_173 = vector.broadcast %jit3A_172 : f32 to vector<512xf32>
      %select_n3A_174 = arith.select %gt3A_171, %div3A_169, %broadcast_in_dim3A_173 : vector<512xf32>
      %broadcast_in_dim3A_175 = vector.shape_cast %div3A_152 : vector<512xf32> to vector<1x512xf32>
      %sub3A_176 = vector.broadcast %broadcast_in_dim3A_175 : vector<1x512xf32> to vector<512x512xf32>
      %sub3A_177 = arith.subf %add3A_143, %sub3A_176 : vector<512x512xf32>
      %add3A_178 = arith.constant 9.99999974E-6 : f32
      %add3A_179 = vector.broadcast %add3A_178 : f32 to vector<512xf32>
      %add3A_180 = arith.addf %select_n3A_174, %add3A_179 : vector<512xf32>
      %sqrt3A_181 = math.sqrt %add3A_180 : vector<512xf32>
      %broadcast_in_dim3A_182 = vector.shape_cast %sqrt3A_181 : vector<512xf32> to vector<1x512xf32>
      %div3A_183 = vector.broadcast %broadcast_in_dim3A_182 : vector<1x512xf32> to vector<512x512xf32>
      %div3A_184 = arith.divf %sub3A_177, %div3A_183 : vector<512x512xf32>
      %broadcast_in_dim3A_185 = vector.shape_cast %get3A_145 : vector<512xf32> to vector<1x512xf32>
      %mul3A_186 = vector.broadcast %broadcast_in_dim3A_185 : vector<1x512xf32> to vector<512x512xf32>
      %mul3A_187 = arith.mulf %div3A_184, %mul3A_186 : vector<512x512xf32>
      %broadcast_in_dim3A_188 = vector.shape_cast %get3A_147 : vector<512xf32> to vector<1x512xf32>
      %add3A_189 = vector.broadcast %broadcast_in_dim3A_188 : vector<1x512xf32> to vector<512x512xf32>
      %add3A_190 = arith.addf %mul3A_187, %add3A_189 : vector<512x512xf32>
      %max3A_191 = arith.constant 0.000000e+00 : f32
      %max3A_192 = vector.broadcast %max3A_191 : f32 to vector<512x512xf32>
      %max3A_193 = arith.maximumf %add3A_190, %max3A_192 : vector<512x512xf32>
      %get3A_194 = arith.constant 0 : index
      %get3A_195 = arith.constant 0 : index
      %get3A_196 = vector.load %arg11[%get3A_194, %get3A_195] : memref<3x512xf32, #tpu.memory_space<vmem>>, vector<3x512xf32>
      %dot_general3A_197 = arith.constant dense<0.000000e+00> : vector<512x3xf32>
      %dot_general3A_198 = tpu.matmul %max3A_193, %get3A_196, %dot_general3A_197 {dimension_numbers = #tpu.dot_dimension_numbers<[1], [1], [0], [0], [0, 0, 1, 0], [], []>, transpose_lhs_hint = false} : vector<512x512xf32>, vector<3x512xf32>, vector<512x3xf32> -> vector<512x3xf32>
      %get3A_199 = arith.constant 0 : index
      %get3A_200 = vector.load %arg12[%get3A_199] : memref<3xf32, #tpu.memory_space<vmem>>, vector<3xf32>
      %broadcast_in_dim3A_201 = vector.shape_cast %get3A_200 : vector<3xf32> to vector<1x3xf32>
      %add3A_202 = vector.broadcast %broadcast_in_dim3A_201 : vector<1x3xf32> to vector<512x3xf32>
      %add3A_203 = arith.addf %dot_general3A_198, %add3A_202 : vector<512x3xf32>
      %swap3A_204 = arith.constant 0 : index
      %swap3A_205 = arith.constant 0 : index
      %swap3A_206 = vector.load %arg18[%swap3A_204, %swap3A_205] : memref<512x3xf32, #tpu.memory_space<vmem>>, vector<512x3xf32>
      tpu.vector_store %arg18[%swap3A_204, %swap3A_205], %add3A_203 {strides = array<i32>} : memref<512x3xf32, #tpu.memory_space<vmem>>, vector<512x3xf32>,
    } else {
    }
    %get3A = arith.constant 0 : index
    %get3A_2 = arith.constant 0 : index
    %get3A_3 = arith.constant 0 : index
    %get3A_4 = vector.load %arg13[%get3A, %get3A_2, %get3A_3] : memref<1x4096x3xf32, #tpu.memory_space<vmem>>, vector<1x4096x3xf32>
    %get3A_5 = vector.shape_cast %get3A_4 : vector<1x4096x3xf32> to vector<4096x3xf32>
    %slice3A = vector.extract_strided_slice %get3A_5 {offsets = [0, 0], sizes = [4096, 1], strides = [1, 1]} : vector<4096x3xf32> to vector<4096x1xf32>
    %slice3A_6 = vector.extract_strided_slice %get3A_5 {offsets = [0, 1], sizes = [4096, 1], strides = [1, 1]} : vector<4096x3xf32> to vector<4096x1xf32>
    %slice3A_7 = vector.extract_strided_slice %get3A_5 {offsets = [0, 2], sizes = [4096, 1], strides = [1, 1]} : vector<4096x3xf32> to vector<4096x1xf32>
    %mul3A = arith.constant 128 : i32
    %mul3A_8 = arith.muli %arg0, %mul3A : i32
    %get3A_9 = arith.constant 0 : index
    %get3A_10 = arith.index_cast %mul3A_8 : i32 to index
    %get3A_11 = vector.load %arg14[%get3A_9, %get3A_10] : memref<3x512xf32, #tpu.memory_space<vmem>>, vector<1x128xf32>
    %mul3A_12 = arith.constant 128 : i32
    %mul3A_13 = arith.muli %arg0, %mul3A_12 : i32
    %get3A_14 = arith.constant 1 : index
    %get3A_15 = arith.index_cast %mul3A_13 : i32 to index
    %get3A_16 = vector.load %arg14[%get3A_14, %get3A_15] : memref<3x512xf32, #tpu.memory_space<vmem>>, vector<1x128xf32>
    %mul3A_17 = arith.constant 128 : i32
    %mul3A_18 = arith.muli %arg0, %mul3A_17 : i32
    %get3A_19 = arith.constant 2 : index
    %get3A_20 = arith.index_cast %mul3A_18 : i32 to index
    %get3A_21 = vector.load %arg14[%get3A_19, %get3A_20] : memref<3x512xf32, #tpu.memory_space<vmem>>, vector<1x128xf32>
    %sub3A = vector.broadcast %slice3A : vector<4096x1xf32> to vector<4096x128xf32>
    %sub3A_22 = vector.broadcast %get3A_11 : vector<1x128xf32> to vector<4096x128xf32>
    %sub3A_23 = arith.subf %sub3A, %sub3A_22 : vector<4096x128xf32>
    %mul3A_24 = arith.mulf %sub3A_23, %sub3A_23 : vector<4096x128xf32>
    %sub3A_25 = vector.broadcast %slice3A_6 : vector<4096x1xf32> to vector<4096x128xf32>
    %sub3A_26 = vector.broadcast %get3A_16 : vector<1x128xf32> to vector<4096x128xf32>
    %sub3A_27 = arith.subf %sub3A_25, %sub3A_26 : vector<4096x128xf32>
    %mul3A_28 = arith.mulf %sub3A_27, %sub3A_27 : vector<4096x128xf32>
    %add3A = arith.addf %mul3A_24, %mul3A_28 : vector<4096x128xf32>
    %sub3A_29 = vector.broadcast %slice3A_7 : vector<4096x1xf32> to vector<4096x128xf32>
    %sub3A_30 = vector.broadcast %get3A_21 : vector<1x128xf32> to vector<4096x128xf32>
    %sub3A_31 = arith.subf %sub3A_29, %sub3A_30 : vector<4096x128xf32>
    %mul3A_32 = arith.mulf %sub3A_31, %sub3A_31 : vector<4096x128xf32>
    %add3A_33 = arith.addf %add3A, %mul3A_32 : vector<4096x128xf32>
    %neg3A = arith.constant 0.000000e+00 : f32
    %neg3A_34 = vector.broadcast %neg3A : f32 to vector<4096x128xf32>
    %neg3A_35 = arith.subf %neg3A_34, %add3A_33 : vector<4096x128xf32>
    %div3A = arith.constant 5.000000e-01 : f32
    %div3A_36 = vector.broadcast %div3A : f32 to vector<4096x128xf32>
    %div3A_37 = arith.divf %neg3A_35, %div3A_36 : vector<4096x128xf32>
    %reduce_max3A = arith.constant dense<0xFF800000> : vector<4096xf32>
    %reduce_max3A_38 = vector.multi_reduction <maximumf>, %div3A_37, %reduce_max3A [1] : vector<4096x128xf32> to vector<4096xf32>
    %broadcast_in_dim3A = vector.shape_cast %reduce_max3A_38 : vector<4096xf32> to vector<4096x1xf32>
    %sub3A_39 = vector.broadcast %broadcast_in_dim3A : vector<4096x1xf32> to vector<4096x128xf32>
    %sub3A_40 = arith.subf %div3A_37, %sub3A_39 : vector<4096x128xf32>
    %exp3A = math.exp %sub3A_40 : vector<4096x128xf32>
    %reduce_sum3A = arith.constant dense<0.000000e+00> : vector<4096xf32>
    %reduce_sum3A_41 = vector.multi_reduction <add>, %exp3A, %reduce_sum3A [1] : vector<4096x128xf32> to vector<4096xf32>
    %broadcast_in_dim3A_42 = vector.shape_cast %reduce_sum3A_41 : vector<4096xf32> to vector<4096x1xf32>
    %div3A_43 = vector.broadcast %broadcast_in_dim3A_42 : vector<4096x1xf32> to vector<4096x128xf32>
    %div3A_44 = arith.divf %exp3A, %div3A_43 : vector<4096x128xf32>
    %mul3A_45 = arith.constant 128 : i32
    %mul3A_46 = arith.muli %arg0, %mul3A_45 : i32
    %get3A_47 = arith.index_cast %mul3A_46 : i32 to index
    %get3A_48 = arith.constant 0 : index
    %get3A_49 = vector.load %arg18[%get3A_47, %get3A_48] : memref<512x3xf32, #tpu.memory_space<vmem>>, vector<128x3xf32>
    %swap3A = arith.constant 0 : index
    %swap3A_50 = arith.constant 0 : index
    %swap3A_51 = arith.constant 0 : index
    %swap3A_52 = vector.load %arg17[%swap3A, %swap3A_50, %swap3A_51] : memref<1x128x3xf32, #tpu.memory_space<vmem>>, vector<1x128x3xf32>
    %swap3A_53 = vector.shape_cast %swap3A_52 : vector<1x128x3xf32> to vector<128x3xf32>
    %swap3A_54 = vector.shape_cast %get3A_49 : vector<128x3xf32> to vector<1x128x3xf32>
    tpu.vector_store %arg17[%swap3A, %swap3A_50, %swap3A_51], %swap3A_54 {strides = array<i32>} : memref<1x128x3xf32, #tpu.memory_space<vmem>>, vector<1x128x3xf32>,
    %dot_general3A = arith.constant dense<0.000000e+00> : vector<4096x3xf32>
    %dot_general3A_55 = tpu.matmul %div3A_44, %get3A_49, %dot_general3A {dimension_numbers = #tpu.dot_dimension_numbers<[1], [0], [0], [1], [0, 0, 1, 1], [], []>, transpose_lhs_hint = false} : vector<4096x128xf32>, vector<128x3xf32>, vector<4096x3xf32> -> vector<4096x3xf32>
    %swap3A_56 = arith.constant 0 : index
    %swap3A_57 = arith.constant 0 : index
    %swap3A_58 = arith.constant 0 : index
    %swap3A_59 = vector.load %arg16[%swap3A_56, %swap3A_57, %swap3A_58] : memref<1x4096x3xf32, #tpu.memory_space<vmem>>, vector<1x4096x3xf32>
    %swap3A_60 = vector.shape_cast %swap3A_59 : vector<1x4096x3xf32> to vector<4096x3xf32>
    %swap3A_61 = vector.shape_cast %dot_general3A_55 : vector<4096x3xf32> to vector<1x4096x3xf32>
    tpu.vector_store %arg16[%swap3A_56, %swap3A_57, %swap3A_58], %swap3A_61 {strides = array<i32>} : memref<1x4096x3xf32, #tpu.memory_space<vmem>>, vector<1x4096x3xf32>,
    %add3A_62 = arith.addf %get3A_5, %dot_general3A_55 : vector<4096x3xf32>
    %swap3A_63 = arith.constant 0 : index
    %swap3A_64 = arith.constant 0 : index
    %swap3A_65 = arith.constant 0 : index
    %swap3A_66 = vector.load %arg15[%swap3A_63, %swap3A_64, %swap3A_65] : memref<1x4096x3xf32, #tpu.memory_space<vmem>>, vector<1x4096x3xf32>
    %swap3A_67 = vector.shape_cast %swap3A_66 : vector<1x4096x3xf32> to vector<4096x3xf32>
    %swap3A_68 = vector.shape_cast %add3A_62 : vector<4096x3xf32> to vector<1x4096x3xf32>
    tpu.vector_store %arg15[%swap3A_63, %swap3A_64, %swap3A_65], %swap3A_68 {strides = array<i32>} : memref<1x4096x3xf32, #tpu.memory_space<vmem>>, vector<1x4096x3xf32>,
    return
  }
  func.func @transform_0(%arg0: i32) -> (i32, i32) {
    %c0_i32 = arith.constant 0 : i32
    %c0_i32_0 = arith.constant 0 : i32
    %c0_i32_1 = arith.constant 0 : i32
    return %c0_i32, %c0_i32_0 : i32, i32
  }
  func.func @transform_1(%arg0: i32) -> (i32, i32) {
    %c0_i32 = arith.constant 0 : i32
    %c0_i32_0 = arith.constant 0 : i32
    %c0_i32_1 = arith.constant 0 : i32
    return %c0_i32, %c0_i32_0 : i32, i32
  }
  func.func @transform_2(%arg0: i32) -> (i32, i32) {
    %c0_i32 = arith.constant 0 : i32
    %c0_i32_0 = arith.constant 0 : i32
    %c0_i32_1 = arith.constant 0 : i32
    return %c0_i32, %c0_i32_0 : i32, i32
  }
  func.func @transform_3(%arg0: i32) -> i32 {
    %c0_i32 = arith.constant 0 : i32
    %c0_i32_0 = arith.constant 0 : i32
    return %c0_i32 : i32
  }
  func.func @transform_4(%arg0: i32) -> i32 {
    %c0_i32 = arith.constant 0 : i32
    %c0_i32_0 = arith.constant 0 : i32
    return %c0_i32 : i32
  }
  func.func @transform_5(%arg0: i32) -> i32 {
    %c0_i32 = arith.constant 0 : i32
    %c0_i32_0 = arith.constant 0 : i32
    return %c0_i32 : i32
  }
  func.func @transform_6(%arg0: i32) -> (i32, i32) {
    %c0_i32 = arith.constant 0 : i32
    %c0_i32_0 = arith.constant 0 : i32
    %c0_i32_1 = arith.constant 0 : i32
    return %c0_i32, %c0_i32_0 : i32, i32
  }
  func.func @transform_7(%arg0: i32) -> i32 {
    %c0_i32 = arith.constant 0 : i32
    %c0_i32_0 = arith.constant 0 : i32
    return %c0_i32 : i32
  }
  func.func @transform_8(%arg0: i32) -> i32 {
    %c0_i32 = arith.constant 0 : i32
    %c0_i32_0 = arith.constant 0 : i32
    return %c0_i32 : i32
  }
  func.func @transform_9(%arg0: i32) -> i32 {
    %c0_i32 = arith.constant 0 : i32
    %c0_i32_0 = arith.constant 0 : i32
    return %c0_i32 : i32
  }
  func.func @transform_10(%arg0: i32) -> (i32, i32) {
    %c0_i32 = arith.constant 0 : i32
    %c0_i32_0 = arith.constant 0 : i32
    %c0_i32_1 = arith.constant 0 : i32
    return %c0_i32, %c0_i32_0 : i32, i32
  }
  func.func @transform_11(%arg0: i32) -> i32 {
    %c0_i32 = arith.constant 0 : i32
    %c0_i32_0 = arith.constant 0 : i32
    return %c0_i32 : i32
  }
  func.func @transform_12(%arg0: i32) -> (i32, i32, i32) {
    %c0_i32 = arith.constant 0 : i32
    %c0_i32_0 = arith.constant 0 : i32
    %c0_i32_1 = arith.constant 0 : i32
    return %arg0, %c0_i32, %c0_i32_0 : i32, i32, i32
  }
  func.func @transform_13(%arg0: i32) -> (i32, i32) {
    %c0_i32 = arith.constant 0 : i32
    %c0_i32_0 = arith.constant 0 : i32
    %c0_i32_1 = arith.constant 0 : i32
    return %c0_i32, %c0_i32_0 : i32, i32
  }
  func.func @transform_14(%arg0: i32) -> (i32, i32, i32) {
    %c0_i32 = arith.constant 0 : i32
    %c0_i32_0 = arith.constant 0 : i32
    %c0_i32_1 = arith.constant 0 : i32
    return %arg0, %c0_i32, %c0_i32_0 : i32, i32, i32
  }
  func.func @transform_15(%arg0: i32) -> (i32, i32, i32) {
    %c0_i32 = arith.constant 0 : i32
    %c0_i32_0 = arith.constant 0 : i32
    %c0_i32_1 = arith.constant 0 : i32
    return %arg0, %c0_i32, %c0_i32_0 : i32, i32, i32
  }
  func.func @transform_16(%arg0: i32) -> (i32, i32, i32) {
    %c0_i32 = arith.constant 0 : i32
    %c0_i32_0 = arith.constant 0 : i32
    %c0_i32_1 = arith.constant 0 : i32
    return %arg0, %c0_i32, %c0_i32_0 : i32, i32, i32
  }
}

</mosaic_0001>

<sc_bundles>
// kernel: kernel.5.cloned.1.call-start
scs
__scs_entry_jumppad:
0x0: {  	(pc) =	sbr.rel $0x88, $3  }
0x1: {  	(tag) =	ssettag $0x0;
	lr =	simm.s32 $0x1  }
0x2: {  	[smem:$0x3F93] =	sst lr;
	_ =	strace $0xD0000000  }
0x3: {  	_ = 	snop  }
0x4: {  	_ = 	snop  }
0x5: {  	_ = 	snop  }
0x6: {  	_ = 	snop  }
0x7: {  	_ = 	snop  }
__scs_overlays_trampoline_lowered:
0x8: {  	[smem:$0x3FA2] =	sst s0  }
0x9: {  	[smem:$0x3FA3] =	sst s1  }
0xa: {  	[smem:$0x3FA4] =	sst s2  }
0xb: {  	[smem:$0x3FA5] =	sst s3  }
0xc: {  	[smem:$0x3FA6] =	sst s4  }
0xd: {  	[smem:$0x3FA7] =	sst s5  }
0xe: {  	[smem:$0x3FA8] =	sst s6  }
0xf: {  	[smem:$0x3FA9] =	sst s7  }
0x10: {  	[smem:$0x3FAA] =	sst s8  }
0x11: {  	[smem:$0x3FAB] =	sst s9;
	s0 =	simm.s32 @!p0 $0x0  }
0x12: {  	s1 =	sld [smem:$0x3F91];
	s0 =	simm.s32 @p0 $0x1  }
0x13: {  	[smem:$0x3FAC] =	sst s0;
	s0 =	simm.s32 @!p1 $0x0  }
0x14: {  	s2 =	sld [smem:$0x3F90];
	s0 =	simm.s32 @p1 $0x1  }
0x15: {  	[smem:$0x3FAD] =	sst s0;
	s0 =	simm.s32 @!p2 $0x0  }
0x16: {  	s3 =	sld [smem:$0x3FDB];
	s0 =	simm.s32 @p2 $0x1  }
0x17: {  	s4 =	simm.s32 $0x1BF5;
	[smem:$0x3FAF] =	sst s0  }
0x18: {  	s0 =	sld [smem:$0x3F92];
	_ =	swait.ge [sflag:s4], $0x0  }
0x19: {  	s7 =	sld [smem:$0x3F93]  }
0x1a: {  	s8 =	sadd.s32 $0xFFFFE003, lr  }
0x1b: {  	s9 =	sadd.s32 $0xFFFFFEF7, lr;
	s5 =	simm.s32 $0xFFFFFFFF;
	p2 =	slt.u32 s8, $0xFFFFF086  }
0x1c: {  	p1 =	slt.u32 s9, $0xF7A;
	s5 =	simm.s32 @!p2 $0x0  }
0x1d: {  	s5 =	simm.s32 @p1 $0x1;
	p0 =	seq.s32 s7, s2  }
0x1e: {  	s7 =	smul.u32 @!p0 $0xF7A, s2;
	p2 =	seq.s32 @!p0 s5, $0x0  }
0x1f: {  	s9 =	smul.u32 $0xF7A, s1;
	s8 =	simm.s32 @!p0 $0x1BF5;
	p2 =	por !p2, p0  }
0x20: {  	[sflag:s8] =	ssyncset.s32 @!p0 $0xFFFFF086;
	s6 =	sadd.s32 @!p0 s3, s7;
	s7 =	simm.s32 @!p0 $0x108  }
0x21: {  	s3 =	sadd.s32 s3, s9;
	s6 =	sadd.s32 @!p0 $0x88, s6;
	s7 =	simm.s32 @p2 $0x1082  }
0x22: {  	[simem:s7], [sflag:s8] =	dma.local @!p0 [hbm:s6], $0xF7A  }
0x23: {  	s9 =	sor.u32 $0xD0000000, s2;
	s6 =	simm.s32 $0x108;
	_ =	swait.ge @!p0 [sflag:s8], $0x0  }
0x24: {  	s3 =	sadd.s32 $0x88, s3;
	s6 =	simm.s32 @!p1 $0x1082;
	[sflag:s4] =	ssyncset.s32 $0xFFFFF086  }
0x25: {  	[simem:s6], [sflag:s4] =	dma.local [hbm:s3], $0xF7A  }
0x26: {  	[smem:$0x3F93] =	sst s1;
	(tag) =	ssettag s2;
	_ =	strace s9  }
0x27: {  	s1 =	sld [smem:$0x3FA3]  }
0x28: {  	s2 =	sld [smem:$0x3FA4]  }
0x29: {  	s4 =	sld [smem:$0x3FA6]  }
0x2a: {  	p0 =	seq.s32 s5, $0x0;
	s5 =	sld [smem:$0x3FA7]  }
0x2b: {  	s6 =	sld [smem:$0x3FA8]  }
0x2c: {  	s7 =	sld [smem:$0x3FA9]  }
0x2d: {  	s3 =	simm.s32 $0x108;
	s8 =	sld [smem:$0x3FAA]  }
0x2e: {  	s3 =	simm.s32 @!p0 $0x1082;
	s9 =	sld [smem:$0x3FAB]  }
0x2f: {  	lr =	sadd.s32 s0, s3;
	s0 =	sld [smem:$0x3FA2]  }
0x30: {  	s3 =	sld [smem:$0x3FA5]  }
0x31: {  	[smem:$0x3FAE] =	sst s10  }
0x32: {  	s10 =	sld [smem:$0x3FAC];
	_ =	sdelay $0x3  }
0x33: {  	p0 =	seq.s32 s10, $0x1;
	s10 =	sld [smem:$0x3FAE];
	_ =	sdelay $0x3  }
0x34: {  	[smem:$0x3FAE] =	sst s10  }
0x35: {  	s10 =	sld [smem:$0x3FAD];
	_ =	sdelay $0x3  }
0x36: {  	p1 =	seq.s32 s10, $0x1;
	s10 =	sld [smem:$0x3FAE];
	_ =	sdelay $0x3  }
0x37: {  	[smem:$0x3FAE] =	sst s10  }
0x38: {  	s10 =	sld [smem:$0x3FAF]  }
0x39: {  	_ = 	snop;
	(pc) =	sbr.ind lr, $3  }
0x3a: {  	_ = 	snop  }
0x3b: {  	_ = 	snop  }
0x3c: {  	p2 =	seq.s32 s10, $0x1;
	s10 =	sld [smem:$0x3FAE]  }
0x3d: {  	_ =	shalt  }
0x3e: {  	_ =	shalt  }
0x3f: {  	_ =	shalt  }
0x40: {  	_ =	shalt  }
0x41: {  	_ =	shalt  }
0x42: {  	_ =	shalt  }
0x43: {  	_ =	shalt  }
0x44: {  	_ =	shalt  }
0x45: {  	_ =	shalt  }
0x46: {  	_ =	shalt  }
0x47: {  	_ =	shalt  }
0x48: {  	_ =	shalt  }
0x49: {  	_ =	shalt  }
0x4a: {  	_ =	shalt  }
0x4b: {  	_ =	shalt  }
0x4c: {  	_ =	shalt  }
0x4d: {  	_ =	shalt  }
0x4e: {  	_ =	shalt  }
0x4f: {  	_ =	shalt  }
0x50: {  	_ =	shalt  }
0x51: {  	_ =	shalt  }
0x52: {  	_ =	shalt  }
0x53: {  	_ =	shalt  }
0x54: {  	_ =	shalt  }
0x55: {  	_ =	shalt  }
0x56: {  	_ =	shalt  }
0x57: {  	_ =	shalt  }
0x58: {  	_ =	shalt  }
0x59: {  	_ =	shalt  }
0x5a: {  	_ =	shalt  }
0x5b: {  	_ =	shalt  }
0x5c: {  	_ =	shalt  }
0x5d: {  	_ =	shalt  }
0x5e: {  	_ =	shalt  }
0x5f: {  	_ =	shalt  }
0x60: {  	_ =	shalt  }
0x61: {  	_ =	shalt  }
0x62: {  	_ =	shalt  }
0x63: {  	_ =	shalt  }
0x64: {  	_ =	shalt  }
0x65: {  	_ =	shalt  }
0x66: {  	_ =	shalt  }
0x67: {  	_ =	shalt  }
0x68: {  	_ =	shalt  }
0x69: {  	_ =	shalt  }
0x6a: {  	_ =	shalt  }
0x6b: {  	_ =	shalt  }
0x6c: {  	_ =	shalt  }
0x6d: {  	_ =	shalt  }
0x6e: {  	_ =	shalt  }
0x6f: {  	_ =	shalt  }
0x70: {  	_ =	shalt  }
0x71: {  	_ =	shalt  }
0x72: {  	_ =	shalt  }
0x73: {  	_ =	shalt  }
0x74: {  	_ =	shalt  }
0x75: {  	_ =	shalt  }
0x76: {  	_ =	shalt  }
0x77: {  	_ =	shalt  }
0x78: {  	_ =	shalt  }
0x79: {  	_ =	shalt  }
0x7a: {  	_ =	shalt  }
0x7b: {  	_ =	shalt  }
0x7c: {  	_ =	shalt  }
0x7d: {  	_ =	shalt  }
0x7e: {  	_ =	shalt  }
0x7f: {  	_ =	shalt  }
0x80: {  	_ =	shalt  }
0x81: {  	_ =	shalt  }
0x82: {  	_ =	shalt  }
0x83: {  	_ =	shalt  }
0x84: {  	_ =	shalt  }
0x85: {  	_ =	shalt  }
0x86: {  	_ =	shalt  }
0x87: {  	_ =	shalt  }
.Lfunc_end0:
.L_simem_size_0:
called_computation_lowered:
.L_overlay_start_0:
0x88: {  	s2 =	sld [smem:$0x3FD9]  }
0x89: {  	s3 =	sld [smem:$0x3FFE];
	_ =	sdelay $0x1  }
0x8a: {  	s1 =	srdreg.scid  }
0x8b: {  	s0 =	sand.u32 $0x1, s1  }
0x8c: {  	s14 =	sshll.u32 s0, $0xA;
	s2 =	sadd.s32 s3, s2  }
0x8d: {  	s2 =	sadd.s32 s2, s14  }
0x8e: {  	[smem:$0x3FBA] =	sst s2  }
0x8f: {  	_ = 	snop  }
0x90: {  	s2 =	sld [smem:$0x3FD0];
	_ =	sdelay $0x1  }
0x91: {  	s15 =	sld [smem:$0x3FC8]  }
0x92: {  	s5 =	simm.s32 $0xA;
	s6 =	simm.s32 $0x10;
	s4 =	sld [smem:$0x3FC6]  }
0x93: {  	[smem:s6], [sflag:s5] =	dma.local [hbm:s2], $0x1  }
0x94: {  	_ =	swait.eq [sflag:s5], $0x1  }
0x95: {  	[sflag:s5] =	ssyncset.done $0x0  }
0x96: {  	s16 =	sld [smem:$0x11];
	[sflag:s5] =	ssyncadd.s32 $0xFFFFFFFF  }
0x97: {  	s17 =	sld [smem:$0x13];
	(tm) =	ssettm $0x1  }
0x98: {  	s18 =	sld [smem:$0x3FFB];
	_ =	sdelay $0x3  }
0x99: {  	_ =	strace s18  }
0x9a: {  	s6 =	sld [smem:$0x3FFC];
	_ =	sdelay $0x3  }
0x9b: {  	_ =	strace s6  }
0x9c: {  	s6 =	sld [smem:$0x3FFD];
	_ =	sdelay $0x3  }
0x9d: {  	_ =	strace s6  }
0x9e: {  	_ =	strace $0x8FFFFFFF  }
0x9f: {  	s19 =	sld [smem:$0x3FDB];
	_ =	sdelay $0x1  }
0xa0: {  	s7 =	simm.s32 $_scs_section_size  }
0xa1: {  	s8 =	simm.s32 $_size__tile_overlayer_lowered;
	s9 =	simm.s32 $_tile_overlayer_lowered  }
0xa2: {  	s22 =	simm.s32 $0x1BFF;
	s21 =	sshll.u32 s9, $0x1;
	s6 =	sadd.s32 s7, s19  }
0xa3: {  	s10 =	simm.s32 $0x0;
	s20 =	sshll.u32 s8, $0x1;
	s8 =	sadd.s32 s21, s6  }
0xa4: {  	[timem:s10], [sflag:s22] =	dma.local [hbm:s8], s20  }
0xa5: {  	_ =	swait.ge [sflag:s22], s20  }
0xa6: {  	s7 =	ssub.s32 $0x0, s20;
	[sflag:s22] =	ssyncset.done $0x0  }
0xa7: {  	[sflag:s22] =	ssyncadd.s32 s7;
	_ =	sdelay $0x1  }
0xa8: {  	s23 =	simm.s32 $0x1B8B  }
0xa9: {  	_ =	swait.ge [sflag:s23], $0x1  }
0xaa: {  	[sflag:s23] =	ssyncset.done $0x0  }
0xab: {  	s25 =	simm.s32 $0x1B8E;
	s24 =	sld [smem:$0x3FFE];
	[sflag:s23] =	ssyncadd.s32 $0xFFFFFFFF  }
0xac: {  	s26 =	simm.s32 $execute0_lowered;
	[smem:$0x3FD2] =	sst s25  }
0xad: {  	s8 =	sshll.u32 s26, $0x1;
	_ =	strace $0x80000046;
	[dreg:$0x1] =	wrdreg $0xFFFFFFFF  }
0xae: {  	s28 =	simm.s32 $_size_execute0_lowered;
	s6 =	sadd.s32 s6, s8;
	[dreg:$0x0] =	wrdreg $0x0  }
0xaf: {  	s8 =	sshll.u32 s28, $0x1;
	[dreg:$0x2] =	wrdreg s6  }
0xb0: {  	[dreg:$0x3] =	wrdreg s8  }
0xb1: {  	[dreg:$0x4] =	wrdreg $0xC0  }
0xb2: {  	_ =	task [dreg:s10], $0x5FFFF  }
0xb3: {  	[dreg:$0x1] =	wrdreg $0xFFFFFFFF  }
0xb4: {  	[dreg:$0x0] =	wrdreg $0x60  }
0xb5: {  	[dreg:$0x2] =	wrdreg s15  }
0xb6: {  	[dreg:$0x3] =	wrdreg s17  }
0xb7: {  	[dreg:$0x4] =	wrdreg s4  }
0xb8: {  	[dreg:$0x5] =	wrdreg s16  }
0xb9: {  	[dreg:$0x6] =	wrdreg s24  }
0xba: {  	[dreg:$0x7] =	wrdreg $0x9  }
0xbb: {  	_ =	task.clear_ibuf [dreg:s10], $0x8FFFF;
	_ =	strace $0x90000046  }
0xbc: {  	s29 =	simm.s32 $0x9;
	_ =	strace $0x80000048  }
0xbd: {  	_ =	swait.ge [sflag:s29], $0x1  }
0xbe: {  	[sflag:s29] =	ssyncadd.s32 $0xFFFFFFFF  }
0xbf: {  	_ =	strace $0x90000048  }
0xc0: {  	_ =	sfence  }
0xc1: {  	s30 =	sld [smem:$0x0];
	_ =	sdelay $0x2  }
0xc2: {  	s31 =	sshll.u32 s1, $0xD;
	s1 =	sshrl.u32 s1, $0x2  }
0xc3: {  	s3 =	sand.u32 $0x4000, s31;
	s1 =	sadd.s32 s1, s30  }
0xc4: {  	s0 =	sor.u32 s3, s0;
	s1 =	sshll.u32 s1, $0x11  }
0xc5: {  	s0 =	sor.u32 s1, s0  }
0xc6: {  	s0 =	sadd.s32 $0x8F2B, s0  }
0xc7: {  	[sflag:s0] =	ssyncadd.remote.s32 $0x1  }
0xc8: {  	_ =	sfence.sel $0xFFFF  }
0xc9: {  	[dreg:$0x0] =	wrdreg $0xFFFFFFFF;
	(pc) =	sbr.abs _section_cstart, $3  }
0xca: {  	[dreg:$0x1] =	wrdreg $0xFFFFFFFF  }
0xcb: {  	_ =	task.clear_ibuf [dreg:s10], $0x2FFFF;
	_ =	strace $0x9FFFFFFF  }
0xcc: {  	(tm) =	ssettm $0x7FFFFFFF  }
0xcd: {  	_ =	shalt  }
tec
execute0_lowered:
.L_overlay_start_1:
0x0: {  	(tag) =	ssettag $0x1  }
0x1: {  	s1 =	rddreg [dreg:$0x0]  }
0x2: {  	s0 =	rddreg [dreg:$0x1]  }
0x3: {  	s2 =	rddreg [dreg:$0x2]  }
0x4: {  	s5 =	rddreg [dreg:$0x3]  }
0x5: {  	s6 =	rddreg [dreg:$0x4];
	s4 =	srdreg.scid  }
0x6: {  	s3 =	stileid.u32;
	s13 =	simm.s32 $0x1;
	s14 =	simm.s32 $0x80  }
0x7: {  	s15 =	simm.s32 $0x880;
	s16 =	simm.s32 $0x1080;
	s17 =	simm.s32 $0x1880  }
0x8: {  	s18 =	simm.s32 $0x2080;
	s19 =	simm.s32 $0x2880;
	s20 =	simm.s32 $0x3080  }
0x9: {  	s21 =	simm.s32 $0x3880;
	s22 =	simm.s32 $0x2;
	s28 =	simm.s32 $0x6100  }
0xa: {  	s29 =	simm.s32 $0x6900;
	s30 =	simm.s32 $0x7100;
	s31 =	simm.s32 $0x7900  }
0xb: {  	s7 =	sand.u32 $0x1, s4;
	s4 =	simm.s32 $0x0;
	s8 =	sshll.u32 s3, $0x5  }
0xc: {  	s10 =	sadd.s32 $0x300, s2;
	s9 =	sshll.u32 s7, $0x4;
	[smem:$0x7FF] =	sst s4  }
0xd: {  	s23 =	ssub.s32 $0x2, s7;
	s8 =	sor.u32 s9, s8;
	_ =	strace $0x80000047  }
0xe: {  	s7 =	sshrl.u32 s23, $0x1;
	s9 =	sshll.u32 s8, $0x7;
	s8 =	sshrl.u32 s8, $0x3  }
0xf: {  	s11 =	ssub.s32 s23, s7;
	s7 =	sadd.s32 $0x300, s1;
	s23 =	simm.s32 $0x4100  }
0x10: {  	s9 =	sadd.s32 s9, s6;
	s0 =	sadd.s32 s0, s8;
	s24 =	sadd.s32 s5, s8  }
0x11: {  	s5 =	sadd.s32 $0x100, s1;
	s6 =	sadd.s32 $0x200, s1;
	[dreg:$0x6] =	wrdreg s0  }
0x12: {  	s8 =	sadd.s32 $0x100, s2;
	s11 =	smax.u32 s11, $0x1;
	[dreg:$0x7] =	wrdreg s24  }
0x13: {  	v2 =	vlaneseq.u32;
	s25 =	sadd.s32 $0x3000, s9;
	s26 =	sadd.s32 $0x13000, s9;
	s9 =	sadd.s32 $0x200, s2  }
0x14: {  	vm0 =	vmmov $0xffff;
	v1 =	vshrl.u32 v2, $0x3;
	s24 =	simm.s32 $0x4900;
	s0 =	simm.s32 $0x3;
	[dreg:$0x8] =	wrdreg s25  }
0x15: {  	v0 =	vand.u32 $0x7, v2;
	v2 =	vor.u32 $0x8, v2;
	v1 =	vmul.u32 $0x8, v1;
	[dreg:$0x9] =	wrdreg s26;
	s25 =	simm.s32 $0x5100;
	s26 =	simm.s32 $0x5900  }
.LBB2_1:
0x16: {  	s3 =	rddreg [dreg:$0x6]  }
0x17: {  	[tilespmem:s4], [sflag:$0x1] =	stream.linear.gather [hbm4b:s3+s4], $0x10, $0x38;
	[tilespmem:$0x8100] =	vst v63  }
0x18: {  	s12 =	rddreg [dreg:$0x7];
	s3 =	simm.s32 $0x4080  }
0x19: {  	[tilespmem:s3], [sflag:$0x2] =	stream.linear.gather [hbm4b:s12+s4], $0x10, $0x38;
	[tilespmem:$0x8100] =	vst v63  }
0x1a: {  	_ =	swait.ge [sflag:s13], $0x10  }
0x1b: {  	[sflag:s13] =	ssyncset.done $0x0  }
0x1c: {  	[sflag:s13] =	ssyncadd.s32 $0xFFFFFFF0  }
0x1d: {  	v3 =	vld [tilespmem:$0x0];
	_ =	sdelay $0x4  }
0x1e: {  	v4 =	vshll.u32 v3, $0x3  }
0x1f: {  	v3 =	vand.u32 $0x7, v3;
	v4 =	vand.u32 $0xFFFFFFC0, v4  }
0x20: {  	v3 =	vor.u32 v3, v4  }
0x21: {  	v4 =	vperm.xlane v3, v0;
	_ =	sdelay $0x1  }
0x22: {  	v4 =	vadd.s32 v1, v4;
	_ =	sdelay $0x4  }
0x23: {  	[tilespmem:s14], [sflag:$0x1] =	stream.indirect_vreg.gather [hbm4b:s1+s4], $0x80, v4, vm0, $0xb8;
	[tilespmem:$0x8100] =	vst v63  }
0x24: {  	v3 =	vperm.xlane v3, v2  }
0x25: {  	[tilespmem:s15], [sflag:$0x1] =	stream.indirect_vreg.gather [hbm4b:s5+s4], $0x80, v4, vm0, $0xb8;
	[tilespmem:$0x8100] =	vst v63  }
0x26: {  	v3 =	vadd.s32 v1, v3  }
0x27: {  	[tilespmem:s16], [sflag:$0x1] =	stream.indirect_vreg.gather [hbm4b:s6+s4], $0x80, v4, vm0, $0xb8;
	[tilespmem:$0x8100] =	vst v63  }
0x28: {  	_ = 	snop  }
0x29: {  	[tilespmem:s17], [sflag:$0x1] =	stream.indirect_vreg.gather [hbm4b:s7+s4], $0x80, v4, vm0, $0xb8;
	[tilespmem:$0x8100] =	vst v63  }
0x2a: {  	_ = 	snop  }
0x2b: {  	[tilespmem:s18], [sflag:$0x1] =	stream.indirect_vreg.gather [hbm4b:s1+s4], $0x80, v3, vm0, $0xb8;
	[tilespmem:$0x8100] =	vst v63  }
0x2c: {  	_ = 	snop  }
0x2d: {  	[tilespmem:s19], [sflag:$0x1] =	stream.indirect_vreg.gather [hbm4b:s5+s4], $0x80, v3, vm0, $0xb8;
	[tilespmem:$0x8100] =	vst v63  }
0x2e: {  	_ = 	snop  }
0x2f: {  	[tilespmem:s20], [sflag:$0x1] =	stream.indirect_vreg.gather [hbm4b:s6+s4], $0x80, v3, vm0, $0xb8;
	[tilespmem:$0x8100] =	vst v63  }
0x30: {  	_ = 	snop  }
0x31: {  	[tilespmem:s21], [sflag:$0x1] =	stream.indirect_vreg.gather [hbm4b:s7+s4], $0x80, v3, vm0, $0xb8;
	[tilespmem:$0x8100] =	vst v63  }
0x32: {  	_ =	swait.ge [sflag:s22], $0x10  }
0x33: {  	[sflag:s22] =	ssyncset.done $0x0  }
0x34: {  	[sflag:s22] =	ssyncadd.s32 $0xFFFFFFF0  }
0x35: {  	v3 =	vld [tilespmem:$0x4080];
	_ =	sdelay $0x4  }
0x36: {  	v63 =	vshll.u32 v3, $0x3  }
0x37: {  	v3 =	vand.u32 $0x7, v3;
	v4 =	vand.u32 $0xFFFFFFC0, v63  }
0x38: {  	v3 =	vor.u32 v3, v4  }
0x39: {  	v4 =	vperm.xlane v3, v0;
	_ =	sdelay $0x1  }
0x3a: {  	v4 =	vadd.s32 v1, v4;
	_ =	sdelay $0x4  }
0x3b: {  	[tilespmem:s23], [sflag:$0x2] =	stream.indirect_vreg.gather [hbm4b:s2+s4], $0x80, v4, vm0, $0xb8;
	[tilespmem:$0x8100] =	vst v63  }
0x3c: {  	v3 =	vperm.xlane v3, v2  }
0x3d: {  	[tilespmem:s24], [sflag:$0x2] =	stream.indirect_vreg.gather [hbm4b:s8+s4], $0x80, v4, vm0, $0xb8;
	[tilespmem:$0x8100] =	vst v63  }
0x3e: {  	v3 =	vadd.s32 v1, v3  }
0x3f: {  	[tilespmem:s25], [sflag:$0x2] =	stream.indirect_vreg.gather [hbm4b:s9+s4], $0x80, v4, vm0, $0xb8;
	[tilespmem:$0x8100] =	vst v63  }
0x40: {  	_ = 	snop  }
0x41: {  	[tilespmem:s26], [sflag:$0x2] =	stream.indirect_vreg.gather [hbm4b:s10+s4], $0x80, v4, vm0, $0xb8;
	[tilespmem:$0x8100] =	vst v63  }
0x42: {  	_ = 	snop  }
0x43: {  	[tilespmem:s28], [sflag:$0x2] =	stream.indirect_vreg.gather [hbm4b:s2+s4], $0x80, v3, vm0, $0xb8;
	[tilespmem:$0x8100] =	vst v63  }
0x44: {  	_ = 	snop  }
0x45: {  	[tilespmem:s29], [sflag:$0x2] =	stream.indirect_vreg.gather [hbm4b:s8+s4], $0x80, v3, vm0, $0xb8;
	[tilespmem:$0x8100] =	vst v63  }
0x46: {  	_ = 	snop  }
0x47: {  	[tilespmem:s30], [sflag:$0x2] =	stream.indirect_vreg.gather [hbm4b:s9+s4], $0x80, v3, vm0, $0xb8;
	[tilespmem:$0x8100] =	vst v63  }
0x48: {  	_ = 	snop  }
0x49: {  	[tilespmem:s31], [sflag:$0x2] =	stream.indirect_vreg.gather [hbm4b:s10+s4], $0x80, v3, vm0, $0xb8;
	[tilespmem:$0x8100] =	vst v63  }
0x4a: {  	_ =	swait.ge [sflag:s13], $0x4000  }
0x4b: {  	[sflag:s13] =	ssyncset.done $0x0  }
0x4c: {  	s12 =	rddreg [dreg:$0x8];
	[sflag:s13] =	ssyncadd.s32 $0xFFFFC000  }
0x4d: {  	[hbm4b:s12+s4] =	stream.linear.scatter [tilespmem:s14], [sflag:$0x3], $0x4000, $0x38;
	[tilespmem:$0x8100] =	vst v63  }
0x4e: {  	_ =	swait.ge [sflag:s0], $0x4000  }
0x4f: {  	[sflag:s0] =	ssyncset.done $0x0  }
0x50: {  	[sflag:s0] =	ssyncadd.s32 $0xFFFFC000  }
0x51: {  	_ =	swait.ge [sflag:s22], $0x4000  }
0x52: {  	p0 =	sne.s32 s11, $0x1;
	[sflag:s22] =	ssyncset.done $0x0  }
.Ltmp0:
0x53: {  	s12 =	rddreg [dreg:$0x9];
	[sflag:s22] =	ssyncadd.s32 $0xFFFFC000;
	(pc) =	sbr.rel @p0 .LBB2_1-.Ltmp0, $4  }
0x54: {  	[hbm4b:s12+s4] =	stream.linear.scatter [tilespmem:s23], [sflag:$0x3], $0x4000, $0x38;
	[tilespmem:$0x8100] =	vst v63  }
0x55: {  	_ =	swait.ge [sflag:s0], $0x4000  }
0x56: {  	[sflag:s0] =	ssyncset.done $0x0  }
0x57: {  	s11 =	sadd.s32 $0xFFFFFFFF, s11;
	[sflag:s0] =	ssyncadd.s32 $0xFFFFC000  }
0x58: {  	_ =	sfence.sel $0x180000  }
0x59: {  	[bflag:$0x0] =	sbarrier.arrive $0xFFFF  }
0x5a: {  	_ =	strace $0x90000047  }
0x5b: {  	s0 =	stileid.u32;
	[bflag:$0x2] =	sbarrier.arrive $0xFFFF  }
0x5c: {  	p0 =	sne.s32 s0, $0x0;
	s0 =	rddreg [dreg:$0x5]  }
0x5d: {  	s0 =	sadd.s32 @!p0 $0x100000, s0  }
0x5e: {  	[sflag:s0] =	ssyncadd.tile.s32 @!p0 $0x1;
	_ =	shalt  }
.Lfunc_end2:
_tile_overlayer_lowered:
.L_overlay_start_2:
0x5f: {  	(tag) =	ssettag $0x2  }
0x60: {  	s0 =	rddreg [dreg:$0x0];
	s2 =	stileid.u32  }
0x61: {  	s1 =	rddreg [dreg:$0x1];
	p0 =	sne.s32 s2, $0x0  }
0x62: {  	s3 =	rddreg [dreg:$0x2];
	[bflag:$0x3] =	sbarrier.arrive $0xFFFF;
	s2 =	simm.s32 @!p0 $0x1C03  }
0x63: {  	[timem:s3], [sflag:s2] =	dma.local @!p0 [hbm:s0], s1  }
0x64: {  	s0 =	simm.s32 @!p0 $0x3  }
0x65: {  	_ =	swait.ge @!p0 [sflag:s0], s1  }
0x66: {  	s1 =	ssub.s32 @!p0 $0x0, s1;
	[sflag:s0] =	ssyncset.done @!p0 $0x0  }
0x67: {  	[sflag:s0] =	ssyncadd.s32 @!p0 s1  }
0x68: {  	[bflag:$0x3] =	sbarrier.arrive $0xFFFF  }
0x69: {  	_ =	shalt  }

</sc_bundles>
